<compile_context>
chip_gen: v7x
topology: tpu7x:2x2x1
jax: 0.10.2.dev20260603
libtpu: 0.0.44.dev20260713+nightly
codegen_flags: <defaults>
</compile_context>

<pallas_src>
import jax
import jax.numpy as jnp
from jax import lax
from jax.experimental import pallas as pl
from jax.experimental.pallas import tpu as pltpu
from jax.experimental.pallas import tpu_sc as plsc

_N = 10000
_E = 160000
_D = 128
_H1 = 128
_H2 = 128
_F1 = 64
_F2 = 2
_EPS = 1e-07

_NC = 2
_NS = 16
_NW = _NC * _NS
_EPT = _E // _NW
_CH = 125
_NCHUNK = _EPT // _CH
_RPS = 624
_TBASE = _RPS * _NS
_TAIL = _N - _TBASE
_AIT = 320
_EPAD = _NW * _AIT * 16

_f32 = jnp.float32
_mesh = plsc.VectorSubcoreMesh(core_axis_name="c", subcore_axis_name="s")


def _make_sc_agg(with_cnt: bool):
    scratch = (
        [
            pltpu.VMEM((_NCHUNK, _CH), jnp.int32),
            pltpu.VMEM((_NCHUNK, _CH), jnp.int32),
        ]
        + [pltpu.VMEM((_CH, _D), _f32) for _ in range(2)]
        + [pltpu.VMEM_SHARED((_N, _D), _f32)]
        + [pltpu.SemaphoreType.DMA for _ in range(4)]
    )
    del with_cnt
    out_type = [jax.ShapeDtypeStruct((_NC, _N, _D), _f32)]
    nbuf = 2

    def body(x_hbm, src_hbm, dst_hbm, zf_hbm, *rest):
        out_feat, sidx, didx = rest[0], rest[1], rest[2]
        rows = rest[3:3 + nbuf]
        feat_acc = rest[3 + nbuf]
        gsem = rest[4 + nbuf:4 + 2 * nbuf]
        ssem = rest[4 + 2 * nbuf:4 + 3 * nbuf]
        cid = lax.axis_index("c")
        sid = lax.axis_index("s")
        wid = sid * _NC + cid
        rb = sid * _RPS
        pltpu.sync_copy(zf_hbm.at[pl.ds(rb, _RPS)],
                        feat_acc.at[pl.ds(rb, _RPS)])

        @pl.when(sid == _NS - 1)
        def _():
            pltpu.sync_copy(zf_hbm.at[pl.ds(_TBASE, _TAIL)],
                            feat_acc.at[pl.ds(_TBASE, _TAIL)])

        pltpu.sync_copy(src_hbm.at[wid], sidx)
        pltpu.sync_copy(dst_hbm.at[wid], didx)
        plsc.subcore_barrier()

        for b in range(nbuf):
            pltpu.async_copy(x_hbm.at[sidx.at[b]], rows[b], gsem[b])

        def quad(q, carry):
            j = nbuf * q
            for b in range(nbuf):
                pltpu.make_async_copy(x_hbm.at[sidx.at[j + b]], rows[b],
                                      gsem[b]).wait()
                pltpu.async_copy(rows[b], feat_acc.at[didx.at[j + b]],
                                 ssem[b], add=True)

            @pl.when(q < _NCHUNK // nbuf - 1)
            def _():
                for b in range(nbuf):
                    pltpu.make_async_copy(rows[b],
                                          feat_acc.at[didx.at[j + b]],
                                          ssem[b]).wait()
                    pltpu.async_copy(x_hbm.at[sidx.at[j + nbuf + b]],
                                     rows[b], gsem[b])
            return carry

        lax.fori_loop(0, _NCHUNK // nbuf, quad, 0)
        for b in range(nbuf):
            pltpu.make_async_copy(rows[b],
                                  feat_acc.at[didx.at[_NCHUNK - nbuf + b]],
                                  ssem[b]).wait()
        plsc.subcore_barrier()
        pltpu.sync_copy(feat_acc.at[pl.ds(rb, _RPS)],
                        out_feat.at[cid, pl.ds(rb, _RPS)])

        @pl.when(sid == _NS - 1)
        def _():
            pltpu.sync_copy(feat_acc.at[pl.ds(_TBASE, _TAIL)],
                            out_feat.at[cid, pl.ds(_TBASE, _TAIL)])

    return pl.kernel(
        body,
        out_type=out_type[0],
        mesh=_mesh,
        scratch_types=scratch,
    )


_sc_agg = _make_sc_agg(False)


def _sc_cnt_body(dstp_hbm, z80_hbm, out_cnt, dpad, cntbuf):
    cid = lax.axis_index("c")
    sid = lax.axis_index("s")
    wid = sid * _NC + cid
    pltpu.sync_copy(dstp_hbm.at[wid], dpad)
    pltpu.sync_copy(z80_hbm, cntbuf)
    lane = lax.iota(jnp.int32, 16)
    ones16 = jnp.ones((16,), _f32)
    ebase = wid * (_AIT * 16)

    def cstep(i, carry):
        idx = dpad[i >> 3, pl.ds((i & 7) * 16, 16)]
        msk = ebase + i * 16 + lane < _E
        plsc.addupdate_scatter(cntbuf, [idx >> 7, idx & 127], ones16,
                               mask=msk)
        return carry

    lax.fori_loop(0, _AIT, cstep, 0)
    pltpu.sync_copy(cntbuf, out_cnt.at[wid])


_sc_cnt = pl.kernel(
    _sc_cnt_body,
    out_type=jax.ShapeDtypeStruct((_NW, 80, _D), _f32),
    mesh=_mesh,
    scratch_types=[
        pltpu.VMEM((_AIT // 8, _D), jnp.int32),
        pltpu.VMEM((80, _D), _f32),
    ],
    compiler_params=pltpu.CompilerParams(needs_layout_passes=False),
)


def _sc_adj_body(a0_hbm, a1_hbm, src_hbm, dst_hbm, out_hbm,
                 a0b, a1b, sbuf, dbuf, outb):
    cid = lax.axis_index("c")
    sid = lax.axis_index("s")
    wid = sid * _NC + cid
    pltpu.sync_copy(a0_hbm, a0b)
    pltpu.sync_copy(a1_hbm, a1b)
    pltpu.sync_copy(src_hbm.at[wid], sbuf)
    pltpu.sync_copy(dst_hbm.at[wid], dbuf)
    lane = lax.iota(jnp.int32, 16)
    ebase = wid * (_AIT * 16)

    def it(i, carry):
        s00, s01, s10, s11 = carry
        idx_s = sbuf[i >> 3, pl.ds((i & 7) * 16, 16)]
        idx_d = dbuf[i >> 3, pl.ds((i & 7) * 16, 16)]
        a0s = plsc.load_gather(a0b, [idx_s])
        a1s = plsc.load_gather(a1b, [idx_s])
        a0d = plsc.load_gather(a0b, [idx_d])
        a1d = plsc.load_gather(a1b, [idx_d])
        w = jnp.where(ebase + i * 16 + lane < _E, 1.0, 0.0).astype(_f32)
        a0dw = a0d * w
        a1dw = a1d * w
        return (s00 + a0s * a0dw, s01 + a0s * a1dw,
                s10 + a1s * a0dw, s11 + a1s * a1dw)

    z = jnp.zeros((16,), _f32)
    s00, s01, s10, s11 = lax.fori_loop(0, _AIT, it, (z, z, z, z))
    outb[0, :] = s00
    outb[1, :] = s01
    outb[2, :] = s10
    outb[3, :] = s11
    pltpu.sync_copy(outb, out_hbm.at[wid])


_sc_adj = pl.kernel(
    _sc_adj_body,
    out_type=jax.ShapeDtypeStruct((_NW, 4, 16), _f32),
    mesh=_mesh,
    compiler_params=pltpu.CompilerParams(needs_layout_passes=False),
    scratch_types=[
        pltpu.VMEM((_N,), _f32),
        pltpu.VMEM((_N,), _f32),
        pltpu.VMEM((_AIT // 8, _D), jnp.int32),
        pltpu.VMEM((_AIT // 8, _D), jnp.int32),
        pltpu.VMEM((4, 16), _f32),
    ],
)

_BLK = 1280
_GRID = 8
_GR = _BLK // _D


def _count_col(c80, i):
    sel = ((lax.broadcasted_iota(jnp.int32, (_BLK, 80), 0) >> 7) + _GR * i
           == lax.broadcasted_iota(jnp.int32, (_BLK, 80), 1)).astype(_f32)
    tmp = jnp.dot(sel, c80, preferred_element_type=_f32)
    lmask = ((lax.broadcasted_iota(jnp.int32, (_BLK, _D), 0) & 127)
             == lax.broadcasted_iota(jnp.int32, (_BLK, _D), 1)).astype(_f32)
    return jnp.sum(tmp * lmask, axis=1, keepdims=True)


def _tc1_body(x, agg, cnt, W1l, W1r, b1, out):
    c = jnp.maximum(_count_col(jnp.sum(cnt[...], axis=0), pl.program_id(0)),
                    1.0)
    mean = (agg[0] + agg[1]) / c
    h = (jnp.dot(mean, W1l[...], preferred_element_type=_f32)
         + jnp.dot(x[...], W1r[...], preferred_element_type=_f32) + b1[...])
    out[...] = jnp.maximum(h, 0.0)


def _tc1(x, agg, cnt, W1l, W1r, b1):
    return pl.pallas_call(
        _tc1_body,
        grid=(_GRID,),
        in_specs=[
            pl.BlockSpec((_BLK, _D), lambda i: (i, 0)),
            pl.BlockSpec((_NC, _BLK, _D), lambda i: (0, i, 0)),
            pl.BlockSpec((_NW, 80, _D), lambda i: (0, 0, 0)),
            pl.BlockSpec((_D, _H1), lambda i: (0, 0)),
            pl.BlockSpec((_D, _H1), lambda i: (0, 0)),
            pl.BlockSpec((1, _H1), lambda i: (0, 0)),
        ],
        out_specs=pl.BlockSpec((_BLK, _H1), lambda i: (i, 0)),
        out_shape=jax.ShapeDtypeStruct((_N, _H1), _f32),
    )(x, agg, cnt, W1l, W1r, b1)


def _tc2_body(h1, agg, cnt, u, g, W2l, W2r, b2, Wf1, bf1, Wf2, bf2,
              assign, acc):
    i = pl.program_id(0)
    c = jnp.maximum(_count_col(jnp.sum(cnt[...], axis=0), i), 1.0)
    mean = (agg[0] + agg[1]) / c
    nf = (jnp.dot(mean, W2l[...], preferred_element_type=_f32)
          + jnp.dot(h1[...], W2r[...], preferred_element_type=_f32) + b2[...])
    ab = jnp.tanh(jnp.dot(nf, Wf1[...], preferred_element_type=_f32) + bf1[...])
    lg = jnp.dot(ab, Wf2[...], preferred_element_type=_f32) + bf2[...]
    l0 = lg[:, 0:1]
    l1 = lg[:, 1:2]
    m = jnp.maximum(l0, l1)
    e0 = jnp.exp(l0 - m)
    e1 = jnp.exp(l1 - m)
    s = e0 + e1
    a0 = e0 / s
    a1 = e1 / s
    assign[...] = jnp.concatenate([a0, a1], axis=1)
    q0 = a0 + g[:, 0:1]
    q1 = a1 + g[:, 1:2]
    mq = jnp.maximum(q0, q1)
    f0 = jnp.exp(q0 - mq)
    f1 = jnp.exp(q1 - mq)
    fs = f0 + f1
    lp = f0 / fs
    ln = f1 / fs

    vm = (i * _BLK
          + lax.broadcasted_iota(jnp.int32, (_BLK, 1), 0)) < _N
    nfm = jnp.where(vm, nf, 0.0)
    lpm = jnp.where(vm, lp, 0.0)
    lnm = jnp.where(vm, ln, 0.0)
    lnu = jnp.where(vm, ln * u[...], 0.0)

    def brd(v):
        return jnp.broadcast_to(jnp.reshape(v, (1, 1)), (1, _H2))

    contrib = jnp.concatenate([
        jnp.sum(nfm, axis=0)[None, :],
        jnp.sum(nfm * nfm, axis=0)[None, :],
        jnp.sum(lpm * nfm, axis=0)[None, :],
        jnp.sum((lpm * lpm) * nfm, axis=0)[None, :],
        jnp.sum((lpm * lpm) * (nfm * nfm), axis=0)[None, :],
        jnp.sum(lnu, axis=0)[None, :],
        brd(jnp.sum(lnm)),
        brd(jnp.sum(lnm * lnm)),
        brd(jnp.sum(lpm * lpm)),
        brd(jnp.sum(jnp.where(vm & (a0 > 0.5), 1.0, 0.0))),
        jnp.zeros((6, _H2), _f32),
    ], axis=0)

    @pl.when(i == 0)
    def _():
        acc[...] = jnp.zeros((16, _H2), _f32)

    acc[...] += contrib


def _tc2(h1, agg, cnt, u, g, W2l, W2r, b2, Wf1, bf1, Wf2, bf2):
    return pl.pallas_call(
        _tc2_body,
        grid=(_GRID,),
        in_specs=[
            pl.BlockSpec((_BLK, _H1), lambda i: (i, 0)),
            pl.BlockSpec((_NC, _BLK, _H2), lambda i: (0, i, 0)),
            pl.BlockSpec((_NW, 80, _D), lambda i: (0, 0, 0)),
            pl.BlockSpec((_BLK, _H2), lambda i: (i, 0)),
            pl.BlockSpec((_BLK, 2), lambda i: (i, 0)),
            pl.BlockSpec((_H1, _H2), lambda i: (0, 0)),
            pl.BlockSpec((_H1, _H2), lambda i: (0, 0)),
            pl.BlockSpec((1, _H2), lambda i: (0, 0)),
            pl.BlockSpec((_H2, _F1), lambda i: (0, 0)),
            pl.BlockSpec((1, _F1), lambda i: (0, 0)),
            pl.BlockSpec((_F1, _F2), lambda i: (0, 0)),
            pl.BlockSpec((1, _F2), lambda i: (0, 0)),
        ],
        out_specs=[
            pl.BlockSpec((_BLK, 2), lambda i: (i, 0)),
            pl.BlockSpec((16, _H2), lambda i: (0, 0)),
        ],
        out_shape=[
            jax.ShapeDtypeStruct((_N, 2), _f32),
            jax.ShapeDtypeStruct((16, _H2), _f32),
        ],
    )(h1, agg, cnt, u, g, W2l, W2r, b2, Wf1, bf1, Wf2, bf2)


def kernel(features, edge_index, W1l, W1r, b1, W2l, W2r, b2, Wf1, bf1, Wf2, bf2):
    src = edge_index[0]
    dst = edge_index[1]
    src3 = src.reshape(_NW, _NCHUNK, _CH)
    dst3 = dst.reshape(_NW, _NCHUNK, _CH)
    zf = jnp.zeros((_N, _D), _f32)
    z80 = jnp.zeros((80, _D), _f32)
    pad = jnp.zeros((_EPAD - _E,), jnp.int32)
    srcp = jnp.concatenate([src, pad]).reshape(_NW, _AIT // 8, _D)
    dstp = jnp.concatenate([dst, pad]).reshape(_NW, _AIT // 8, _D)

    cnt = _sc_cnt(dstp, z80)
    agg1 = _sc_agg(features, src3, dst3, zf)
    h1 = _tc1(features, agg1, cnt, W1l, W1r, b1.reshape(1, _H1))
    agg2 = _sc_agg(h1, src3, dst3, zf)

    g = jax.random.gumbel(jax.random.key(1), (_N, 2), dtype=_f32)
    u = jax.random.uniform(jax.random.key(2), (_N, _H2), dtype=_f32)
    assignment, acc = _tc2(h1, agg2, cnt, u, g, W2l, W2r, b2.reshape(1, _H2),
                           Wf1, bf1.reshape(1, _F1), Wf2, bf2.reshape(1, _F2))

    adj_parts = _sc_adj(assignment[:, 0], assignment[:, 1], srcp, dstp)

    s_nf = acc[0]
    s_nf2 = acc[1]
    s_lpnf = acc[2]
    s_lp2nf = acc[3]
    s_lp2nf2 = acc[4]
    s_lnu = acc[5]
    s_ln = acc[6, 0]
    s_ln2 = acc[7, 0]
    s_lp2 = acc[8, 0]
    c05 = acc[9, 0]

    nf_mean = s_nf / _N
    var = jnp.maximum((s_nf2 - _N * nf_mean * nf_mean) / (_N - 1), 0.0)
    nf_std = jnp.sqrt(var)

    graph_feature = s_nf[None, :]
    subgraph_representation = s_lpnf[None, :]
    noisy_graph_feature = (s_lpnf + s_ln * nf_mean + s_lnu * nf_std)[None, :]

    denom = (nf_std + _EPS) ** 2
    q = s_lp2nf2 - 2.0 * nf_mean * s_lp2nf + nf_mean * nf_mean * s_lp2
    kl_loss = jnp.mean((0.5 * s_ln2 * var + _N * q) / denom) / _N

    m = jnp.sum(adj_parts, axis=(0, 2)).reshape(2, 2)
    row_norm = jnp.clip(jnp.sum(jnp.abs(m), axis=1, keepdims=True), 1e-12, None)
    norm_diag = jnp.diag(m / row_norm)
    pos_penalty = jnp.mean((norm_diag - 1.0) ** 2)

    preserve_rate = c05 / _N

    return (graph_feature, noisy_graph_feature, subgraph_representation,
            pos_penalty, kl_loss, preserve_rate)

# --- scband reference (transcript-rebuilt; emitter-appended) ---
"""Pipeline reference for scband-sage-44547400794357 (READ-ONLY COPY).

The authoritative reference and input builder live on the scoring server;
editing this copy changes nothing except your own understanding.
"""

import jax, jax.numpy as jnp
import numpy as np

N = 10000
E = 160000
D = 128
H1 = 128
H2 = 128
F1 = 64
F2 = 2
EPS = 1e-07


def sage_conv(x, src, dst, Wl, Wr, b):
    # PyG SAGEConv (aggr='mean'): out = lin_l(mean_{j in N(i)} x_j) + lin_r(x_i), bias in lin_l
    msg = jnp.take(x, src, axis=0)
    agg = jax.ops.segment_sum(msg, dst, num_segments=N)
    cnt = jax.ops.segment_sum(jnp.ones((src.shape[0], 1), x.dtype), dst, num_segments=N)
    mean = agg / jnp.clip(cnt, 1.0, None)
    return mean @ Wl + x @ Wr + b


def setup_inputs(seed: int = 0):
    key = jax.random.key(seed)
    ks = jax.random.split(key, 12)
    features = jax.random.normal(ks[0], (N, D), dtype=jnp.float32)
    edge_index = jax.random.randint(ks[1], (2, E), 0, N, dtype=jnp.int32)

    def lin(k, fan_in, fan_out):
        return (jax.random.normal(k, (fan_in, fan_out), dtype=jnp.float32) / np.sqrt(fan_in)).astype(jnp.float32)

    return {
        "features": features,
        "edge_index": edge_index,
        "W1l": lin(ks[2], D, H1), "W1r": lin(ks[3], D, H1), "b1": jnp.zeros((H1,), jnp.float32),
        "W2l": lin(ks[4], H1, H2), "W2r": lin(ks[5], H1, H2), "b2": jnp.zeros((H2,), jnp.float32),
        "Wf1": lin(ks[6], H2, F1), "bf1": jnp.zeros((F1,), jnp.float32),
        "Wf2": lin(ks[7], F1, F2), "bf2": jnp.zeros((F2,), jnp.float32),
    }


def reference(features, edge_index, W1l, W1r, b1, W2l, W2r, b2, Wf1, bf1, Wf2, bf2):
    src = edge_index[0]
    dst = edge_index[1]
    h1 = jax.nn.relu(sage_conv(features, src, dst, W1l, W1r, b1))
    node_feature = sage_conv(h1, src, dst, W2l, W2r, b2)
    static = jax.lax.stop_gradient(node_feature)
    nf_std = jnp.std(static, axis=0, ddof=1)
    nf_mean = jnp.mean(static, axis=0)
    abstract = jnp.tanh(node_feature @ Wf1 + bf1)
    assignment = jax.nn.softmax(abstract @ Wf2 + bf2, axis=1)
    g = jax.random.gumbel(jax.random.key(1), assignment.shape, dtype=assignment.dtype)
    gumbel_assignment = jax.nn.softmax((assignment + g) / 1.0, axis=-1)
    graph_feature = jnp.sum(node_feature, axis=0, keepdims=True)
    mean_rep = jnp.broadcast_to(nf_mean[None, :], (N, H2))
    lam_pos = gumbel_assignment[:, 0:1]
    lam_neg = gumbel_assignment[:, 1:2]
    subgraph_representation = jnp.sum(lam_pos * node_feature, axis=0, keepdims=True)
    noisy_mean = lam_pos * node_feature + lam_neg * mean_rep
    noisy_std = lam_neg * nf_std[None, :]
    u = jax.random.uniform(jax.random.key(2), noisy_mean.shape, dtype=noisy_mean.dtype)
    noisy = noisy_mean + u * noisy_std
    noisy_graph_feature = jnp.sum(noisy, axis=0, keepdims=True)
    KL_tensor = 0.5 * (noisy_std ** 2 / (nf_std + EPS) ** 2) + jnp.sum(((noisy_mean - mean_rep) / (nf_std + EPS)) ** 2, axis=0)
    KL_Loss = jnp.mean(KL_tensor)
    EYE = jnp.ones(2, dtype=jnp.float32)
    adj = jnp.zeros((N, N), jnp.float32).at[src, dst].add(1.0)
    new_adj = assignment.T @ adj @ assignment
    row_norm = jnp.clip(jnp.sum(jnp.abs(new_adj), axis=1, keepdims=True), 1e-12, None)
    normalize_new_adj = new_adj / row_norm
    norm_diag = jnp.diag(normalize_new_adj)
    pos_penalty = jnp.mean((norm_diag - EYE) ** 2)
    preserve_rate = jnp.sum(assignment[:, 0] > 0.5) / assignment.shape[0]
    return (graph_feature, noisy_graph_feature, subgraph_representation, pos_penalty, KL_Loss, preserve_rate)

if __name__ == "__main__":
    import jax
    _d = setup_inputs()
    print(jax.jit(kernel)(*tuple(_d.values())))

</pallas_src>

<mosaic_0001>
#map = affine_map<(d0, d1) -> (0, 0, 0)>
#map1 = affine_map<(d0, d1) -> (0, 0)>
module attributes {stable_mosaic.version = 14 : i64} {
  func.func @_sc_cnt_body(%arg0: i32, %arg1: i32, %arg2: memref<32x40x128xi32, #tpu.memory_space<hbm>>, %arg3: memref<80x128xf32, #tpu.memory_space<hbm>>, %arg4: memref<32x80x128xf32, #tpu.memory_space<hbm>>, %arg5: memref<40x128xi32, #tpu.memory_space<vmem>>, %arg6: memref<80x128xf32, #tpu.memory_space<vmem>>) attributes {dimension_semantics = [#tpu.dimension_semantics<core_parallel>, #tpu.dimension_semantics<subcore_parallel>], iteration_bounds = array<i64: 2, 16>, scalar_prefetch = 0 : i64, scratch_operands = 2 : i64, tpu.core_type = #tpu.core_type<sc_vector_subcore>, window_params = [{transform_indices = #map}, {transform_indices = #map1}, {transform_indices = #map}]} {
    %mul3A = arith.constant 2 : i32
    %mul3A_0 = arith.muli %arg1, %mul3A : i32
    %add3A = arith.addi %mul3A_0, %arg0 : i32
    "tpu.region"() ({
      %run_scoped3A = tpu.sem_alloc : memref<!tpu.dma_semaphore, #tpu.memory_space<semaphore_mem>>
      %dma_start3A = arith.constant 0 : i32
      %dma_start3A_9 = arith.constant 0 : i32
      %dma_start3A_10 = tpu.memref_slice %arg2[%add3A, %dma_start3A, %dma_start3A_9] : memref<32x40x128xi32, #tpu.memory_space<hbm>> -> memref<1x40x128xi32, #tpu.memory_space<hbm>>
      %dma_start3A_11 = tpu.memref_squeeze %dma_start3A_10 : memref<1x40x128xi32, #tpu.memory_space<hbm>> -> memref<40x128xi32, #tpu.memory_space<hbm>>
      %dma_start3A_12 = arith.constant 0 : i32
      %dma_start3A_13 = arith.constant 0 : i32
      %dma_start3A_14 = tpu.memref_slice %arg2[%add3A, %dma_start3A_12, %dma_start3A_13] : memref<32x40x128xi32, #tpu.memory_space<hbm>> -> memref<1x40x128xi32, #tpu.memory_space<hbm>>
      %dma_start3A_15 = tpu.memref_squeeze %dma_start3A_14 : memref<1x40x128xi32, #tpu.memory_space<hbm>> -> memref<40x128xi32, #tpu.memory_space<hbm>>
      tpu.enqueue_dma source(%dma_start3A_15 : memref<40x128xi32, #tpu.memory_space<hbm>>) target(%arg5 : memref<40x128xi32, #tpu.memory_space<vmem>>) target_semaphore(%run_scoped3A : memref<!tpu.dma_semaphore, #tpu.memory_space<semaphore_mem>>)
      %dma_wait3A = arith.constant 0 : i32
      %dma_wait3A_16 = arith.constant 0 : i32
      %dma_wait3A_17 = tpu.memref_slice %arg2[%add3A, %dma_wait3A, %dma_wait3A_16] : memref<32x40x128xi32, #tpu.memory_space<hbm>> -> memref<1x40x128xi32, #tpu.memory_space<hbm>>
      %dma_wait3A_18 = tpu.memref_squeeze %dma_wait3A_17 : memref<1x40x128xi32, #tpu.memory_space<hbm>> -> memref<40x128xi32, #tpu.memory_space<hbm>>
      %dma_wait3A_19 = arith.constant 0 : i32
      %dma_wait3A_20 = arith.constant 0 : i32
      %dma_wait3A_21 = tpu.memref_slice %arg2[%add3A, %dma_wait3A_19, %dma_wait3A_20] : memref<32x40x128xi32, #tpu.memory_space<hbm>> -> memref<1x40x128xi32, #tpu.memory_space<hbm>>
      %dma_wait3A_22 = tpu.memref_squeeze %dma_wait3A_21 : memref<1x40x128xi32, #tpu.memory_space<hbm>> -> memref<40x128xi32, #tpu.memory_space<hbm>>
      tpu.wait_dma2 semaphore(%run_scoped3A : memref<!tpu.dma_semaphore, #tpu.memory_space<semaphore_mem>>) src(%dma_wait3A_22 : memref<40x128xi32, #tpu.memory_space<hbm>>) dst(%arg5 : memref<40x128xi32, #tpu.memory_space<vmem>>)
      tpu.yield
    }) : () -> ()
    "tpu.region"() ({
      %run_scoped3A = tpu.sem_alloc : memref<!tpu.dma_semaphore, #tpu.memory_space<semaphore_mem>>
      tpu.enqueue_dma source(%arg3 : memref<80x128xf32, #tpu.memory_space<hbm>>) target(%arg6 : memref<80x128xf32, #tpu.memory_space<vmem>>) target_semaphore(%run_scoped3A : memref<!tpu.dma_semaphore, #tpu.memory_space<semaphore_mem>>)
      tpu.wait_dma2 semaphore(%run_scoped3A : memref<!tpu.dma_semaphore, #tpu.memory_space<semaphore_mem>>) src(%arg3 : memref<80x128xf32, #tpu.memory_space<hbm>>) dst(%arg6 : memref<80x128xf32, #tpu.memory_space<vmem>>)
      tpu.yield
    }) : () -> ()
    %iota3A = tpu.iota {dimensions = array<i32: 0>} : vector<16xi32>
    %broadcast_in_dim3A = arith.constant 1.000000e+00 : f32
    %broadcast_in_dim3A_1 = vector.broadcast %broadcast_in_dim3A : f32 to vector<16xf32>
    %mul3A_2 = arith.constant 5120 : i32
    %mul3A_3 = arith.muli %add3A, %mul3A_2 : i32
    %scan3A = arith.constant 0 : i32
    %scan3A_4 = arith.constant 0 : i32
    %scan3A_5 = arith.constant 320 : i32
    %scan3A_6 = arith.addi %scan3A_4, %scan3A_5 : i32
    %scan3A_7 = arith.constant 1 : i32
    scf.for %scan3A_9 = %scan3A_4 to %scan3A_6 step %scan3A_7  : i32 {
      %shift_right_arithmetic3A = arith.constant 3 : i32
      %shift_right_arithmetic3A_10 = arith.shrsi %scan3A_9, %shift_right_arithmetic3A : i32
      %and3A = arith.constant 7 : i32
      %and3A_11 = arith.andi %scan3A_9, %and3A : i32
      %mul3A_12 = arith.constant 16 : i32
      %mul3A_13 = arith.muli %and3A_11, %mul3A_12 : i32
      %get3A = arith.index_cast %shift_right_arithmetic3A_10 : i32 to index
      %get3A_14 = arith.index_cast %mul3A_13 : i32 to index
      %get3A_15 = tpu.vector_load %arg5[%get3A, %get3A_14] {strides = array<i32>} : memref<40x128xi32, #tpu.memory_space<vmem>>, vector<16xi32>,
      %mul3A_16 = arith.constant 16 : i32
      %mul3A_17 = arith.muli %scan3A_9, %mul3A_16 : i32
      %add3A_18 = arith.addi %mul3A_3, %mul3A_17 : i32
      %add3A_19 = vector.broadcast %add3A_18 : i32 to vector<16xi32>
      %add3A_20 = arith.addi %add3A_19, %iota3A : vector<16xi32>
      %lt3A = arith.constant 160000 : i32
      %lt3A_21 = vector.broadcast %lt3A : i32 to vector<16xi32>
      %lt3A_22 = arith.cmpi slt, %add3A_20, %lt3A_21 : vector<16xi32>
      %shift_right_arithmetic3A_23 = arith.constant 7 : i32
      %shift_right_arithmetic3A_24 = vector.broadcast %shift_right_arithmetic3A_23 : i32 to vector<16xi32>
      %shift_right_arithmetic3A_25 = arith.shrsi %get3A_15, %shift_right_arithmetic3A_24 : vector<16xi32>
      %and3A_26 = arith.constant 127 : i32
      %and3A_27 = vector.broadcast %and3A_26 : i32 to vector<16xi32>
      %and3A_28 = arith.andi %get3A_15, %and3A_27 : vector<16xi32>
      tpu.vector_store_idx %arg6[%shift_right_arithmetic3A_25, %and3A_28], %broadcast_in_dim3A_1 masked %lt3A_22 {add = true} : memref<80x128xf32, #tpu.memory_space<vmem>>[vector<16xi32>, vector<16xi32>], vector<16xf32>, vector<16xi1>
    }
    %scan3A_8 = arith.constant 320 : i32
    "tpu.region"() ({
      %run_scoped3A = tpu.sem_alloc : memref<!tpu.dma_semaphore, #tpu.memory_space<semaphore_mem>>
      %dma_start3A = arith.constant 0 : i32
      %dma_start3A_9 = arith.constant 0 : i32
      %dma_start3A_10 = tpu.memref_slice %arg4[%add3A, %dma_start3A, %dma_start3A_9] : memref<32x80x128xf32, #tpu.memory_space<hbm>> -> memref<1x80x128xf32, #tpu.memory_space<hbm>>
      %dma_start3A_11 = tpu.memref_squeeze %dma_start3A_10 : memref<1x80x128xf32, #tpu.memory_space<hbm>> -> memref<80x128xf32, #tpu.memory_space<hbm>>
      %dma_start3A_12 = arith.constant 0 : i32
      %dma_start3A_13 = arith.constant 0 : i32
      %dma_start3A_14 = tpu.memref_slice %arg4[%add3A, %dma_start3A_12, %dma_start3A_13] : memref<32x80x128xf32, #tpu.memory_space<hbm>> -> memref<1x80x128xf32, #tpu.memory_space<hbm>>
      %dma_start3A_15 = tpu.memref_squeeze %dma_start3A_14 : memref<1x80x128xf32, #tpu.memory_space<hbm>> -> memref<80x128xf32, #tpu.memory_space<hbm>>
      tpu.enqueue_dma source(%arg6 : memref<80x128xf32, #tpu.memory_space<vmem>>) target(%dma_start3A_15 : memref<80x128xf32, #tpu.memory_space<hbm>>) target_semaphore(%run_scoped3A : memref<!tpu.dma_semaphore, #tpu.memory_space<semaphore_mem>>)
      %dma_wait3A = arith.constant 0 : i32
      %dma_wait3A_16 = arith.constant 0 : i32
      %dma_wait3A_17 = tpu.memref_slice %arg4[%add3A, %dma_wait3A, %dma_wait3A_16] : memref<32x80x128xf32, #tpu.memory_space<hbm>> -> memref<1x80x128xf32, #tpu.memory_space<hbm>>
      %dma_wait3A_18 = tpu.memref_squeeze %dma_wait3A_17 : memref<1x80x128xf32, #tpu.memory_space<hbm>> -> memref<80x128xf32, #tpu.memory_space<hbm>>
      %dma_wait3A_19 = arith.constant 0 : i32
      %dma_wait3A_20 = arith.constant 0 : i32
      %dma_wait3A_21 = tpu.memref_slice %arg4[%add3A, %dma_wait3A_19, %dma_wait3A_20] : memref<32x80x128xf32, #tpu.memory_space<hbm>> -> memref<1x80x128xf32, #tpu.memory_space<hbm>>
      %dma_wait3A_22 = tpu.memref_squeeze %dma_wait3A_21 : memref<1x80x128xf32, #tpu.memory_space<hbm>> -> memref<80x128xf32, #tpu.memory_space<hbm>>
      tpu.wait_dma2 semaphore(%run_scoped3A : memref<!tpu.dma_semaphore, #tpu.memory_space<semaphore_mem>>) src(%arg6 : memref<80x128xf32, #tpu.memory_space<vmem>>) dst(%dma_wait3A_22 : memref<80x128xf32, #tpu.memory_space<hbm>>)
      tpu.yield
    }) : () -> ()
    return
  }
}

#map = affine_map<(d0, d1) -> (0)>
#map1 = affine_map<(d0, d1) -> (0, 0, 0)>
module attributes {stable_mosaic.version = 14 : i64} {
  func.func @_sc_adj_body(%arg0: i32, %arg1: i32, %arg2: memref<10000xf32, #tpu.memory_space<hbm>>, %arg3: memref<10000xf32, #tpu.memory_space<hbm>>, %arg4: memref<32x40x128xi32, #tpu.memory_space<hbm>>, %arg5: memref<32x40x128xi32, #tpu.memory_space<hbm>>, %arg6: memref<32x4x16xf32, #tpu.memory_space<hbm>>, %arg7: memref<10000xf32, #tpu.memory_space<vmem>>, %arg8: memref<10000xf32, #tpu.memory_space<vmem>>, %arg9: memref<40x128xi32, #tpu.memory_space<vmem>>, %arg10: memref<40x128xi32, #tpu.memory_space<vmem>>, %arg11: memref<4x16xf32, #tpu.memory_space<vmem>>) attributes {dimension_semantics = [#tpu.dimension_semantics<core_parallel>, #tpu.dimension_semantics<subcore_parallel>], iteration_bounds = array<i64: 2, 16>, scalar_prefetch = 0 : i64, scratch_operands = 5 : i64, tpu.core_type = #tpu.core_type<sc_vector_subcore>, window_params = [{transform_indices = #map}, {transform_indices = #map}, {transform_indices = #map1}, {transform_indices = #map1}, {transform_indices = #map1}]} {
    %mul3A = arith.constant 2 : i32
    %mul3A_0 = arith.muli %arg1, %mul3A : i32
    %add3A = arith.addi %mul3A_0, %arg0 : i32
    "tpu.region"() ({
      %run_scoped3A = tpu.sem_alloc : memref<!tpu.dma_semaphore, #tpu.memory_space<semaphore_mem>>
      tpu.enqueue_dma source(%arg2 : memref<10000xf32, #tpu.memory_space<hbm>>) target(%arg7 : memref<10000xf32, #tpu.memory_space<vmem>>) target_semaphore(%run_scoped3A : memref<!tpu.dma_semaphore, #tpu.memory_space<semaphore_mem>>)
      tpu.wait_dma2 semaphore(%run_scoped3A : memref<!tpu.dma_semaphore, #tpu.memory_space<semaphore_mem>>) src(%arg2 : memref<10000xf32, #tpu.memory_space<hbm>>) dst(%arg7 : memref<10000xf32, #tpu.memory_space<vmem>>)
      tpu.yield
    }) : () -> ()
    "tpu.region"() ({
      %run_scoped3A = tpu.sem_alloc : memref<!tpu.dma_semaphore, #tpu.memory_space<semaphore_mem>>
      tpu.enqueue_dma source(%arg3 : memref<10000xf32, #tpu.memory_space<hbm>>) target(%arg8 : memref<10000xf32, #tpu.memory_space<vmem>>) target_semaphore(%run_scoped3A : memref<!tpu.dma_semaphore, #tpu.memory_space<semaphore_mem>>)
      tpu.wait_dma2 semaphore(%run_scoped3A : memref<!tpu.dma_semaphore, #tpu.memory_space<semaphore_mem>>) src(%arg3 : memref<10000xf32, #tpu.memory_space<hbm>>) dst(%arg8 : memref<10000xf32, #tpu.memory_space<vmem>>)
      tpu.yield
    }) : () -> ()
    "tpu.region"() ({
      %run_scoped3A = tpu.sem_alloc : memref<!tpu.dma_semaphore, #tpu.memory_space<semaphore_mem>>
      %dma_start3A = arith.constant 0 : i32
      %dma_start3A_24 = arith.constant 0 : i32
      %dma_start3A_25 = tpu.memref_slice %arg4[%add3A, %dma_start3A, %dma_start3A_24] : memref<32x40x128xi32, #tpu.memory_space<hbm>> -> memref<1x40x128xi32, #tpu.memory_space<hbm>>
      %dma_start3A_26 = tpu.memref_squeeze %dma_start3A_25 : memref<1x40x128xi32, #tpu.memory_space<hbm>> -> memref<40x128xi32, #tpu.memory_space<hbm>>
      %dma_start3A_27 = arith.constant 0 : i32
      %dma_start3A_28 = arith.constant 0 : i32
      %dma_start3A_29 = tpu.memref_slice %arg4[%add3A, %dma_start3A_27, %dma_start3A_28] : memref<32x40x128xi32, #tpu.memory_space<hbm>> -> memref<1x40x128xi32, #tpu.memory_space<hbm>>
      %dma_start3A_30 = tpu.memref_squeeze %dma_start3A_29 : memref<1x40x128xi32, #tpu.memory_space<hbm>> -> memref<40x128xi32, #tpu.memory_space<hbm>>
      tpu.enqueue_dma source(%dma_start3A_30 : memref<40x128xi32, #tpu.memory_space<hbm>>) target(%arg9 : memref<40x128xi32, #tpu.memory_space<vmem>>) target_semaphore(%run_scoped3A : memref<!tpu.dma_semaphore, #tpu.memory_space<semaphore_mem>>)
      %dma_wait3A = arith.constant 0 : i32
      %dma_wait3A_31 = arith.constant 0 : i32
      %dma_wait3A_32 = tpu.memref_slice %arg4[%add3A, %dma_wait3A, %dma_wait3A_31] : memref<32x40x128xi32, #tpu.memory_space<hbm>> -> memref<1x40x128xi32, #tpu.memory_space<hbm>>
      %dma_wait3A_33 = tpu.memref_squeeze %dma_wait3A_32 : memref<1x40x128xi32, #tpu.memory_space<hbm>> -> memref<40x128xi32, #tpu.memory_space<hbm>>
      %dma_wait3A_34 = arith.constant 0 : i32
      %dma_wait3A_35 = arith.constant 0 : i32
      %dma_wait3A_36 = tpu.memref_slice %arg4[%add3A, %dma_wait3A_34, %dma_wait3A_35] : memref<32x40x128xi32, #tpu.memory_space<hbm>> -> memref<1x40x128xi32, #tpu.memory_space<hbm>>
      %dma_wait3A_37 = tpu.memref_squeeze %dma_wait3A_36 : memref<1x40x128xi32, #tpu.memory_space<hbm>> -> memref<40x128xi32, #tpu.memory_space<hbm>>
      tpu.wait_dma2 semaphore(%run_scoped3A : memref<!tpu.dma_semaphore, #tpu.memory_space<semaphore_mem>>) src(%dma_wait3A_37 : memref<40x128xi32, #tpu.memory_space<hbm>>) dst(%arg9 : memref<40x128xi32, #tpu.memory_space<vmem>>)
      tpu.yield
    }) : () -> ()
    "tpu.region"() ({
      %run_scoped3A = tpu.sem_alloc : memref<!tpu.dma_semaphore, #tpu.memory_space<semaphore_mem>>
      %dma_start3A = arith.constant 0 : i32
      %dma_start3A_24 = arith.constant 0 : i32
      %dma_start3A_25 = tpu.memref_slice %arg5[%add3A, %dma_start3A, %dma_start3A_24] : memref<32x40x128xi32, #tpu.memory_space<hbm>> -> memref<1x40x128xi32, #tpu.memory_space<hbm>>
      %dma_start3A_26 = tpu.memref_squeeze %dma_start3A_25 : memref<1x40x128xi32, #tpu.memory_space<hbm>> -> memref<40x128xi32, #tpu.memory_space<hbm>>
      %dma_start3A_27 = arith.constant 0 : i32
      %dma_start3A_28 = arith.constant 0 : i32
      %dma_start3A_29 = tpu.memref_slice %arg5[%add3A, %dma_start3A_27, %dma_start3A_28] : memref<32x40x128xi32, #tpu.memory_space<hbm>> -> memref<1x40x128xi32, #tpu.memory_space<hbm>>
      %dma_start3A_30 = tpu.memref_squeeze %dma_start3A_29 : memref<1x40x128xi32, #tpu.memory_space<hbm>> -> memref<40x128xi32, #tpu.memory_space<hbm>>
      tpu.enqueue_dma source(%dma_start3A_30 : memref<40x128xi32, #tpu.memory_space<hbm>>) target(%arg10 : memref<40x128xi32, #tpu.memory_space<vmem>>) target_semaphore(%run_scoped3A : memref<!tpu.dma_semaphore, #tpu.memory_space<semaphore_mem>>)
      %dma_wait3A = arith.constant 0 : i32
      %dma_wait3A_31 = arith.constant 0 : i32
      %dma_wait3A_32 = tpu.memref_slice %arg5[%add3A, %dma_wait3A, %dma_wait3A_31] : memref<32x40x128xi32, #tpu.memory_space<hbm>> -> memref<1x40x128xi32, #tpu.memory_space<hbm>>
      %dma_wait3A_33 = tpu.memref_squeeze %dma_wait3A_32 : memref<1x40x128xi32, #tpu.memory_space<hbm>> -> memref<40x128xi32, #tpu.memory_space<hbm>>
      %dma_wait3A_34 = arith.constant 0 : i32
      %dma_wait3A_35 = arith.constant 0 : i32
      %dma_wait3A_36 = tpu.memref_slice %arg5[%add3A, %dma_wait3A_34, %dma_wait3A_35] : memref<32x40x128xi32, #tpu.memory_space<hbm>> -> memref<1x40x128xi32, #tpu.memory_space<hbm>>
      %dma_wait3A_37 = tpu.memref_squeeze %dma_wait3A_36 : memref<1x40x128xi32, #tpu.memory_space<hbm>> -> memref<40x128xi32, #tpu.memory_space<hbm>>
      tpu.wait_dma2 semaphore(%run_scoped3A : memref<!tpu.dma_semaphore, #tpu.memory_space<semaphore_mem>>) src(%dma_wait3A_37 : memref<40x128xi32, #tpu.memory_space<hbm>>) dst(%arg10 : memref<40x128xi32, #tpu.memory_space<vmem>>)
      tpu.yield
    }) : () -> ()
    %iota3A = tpu.iota {dimensions = array<i32: 0>} : vector<16xi32>
    %mul3A_1 = arith.constant 5120 : i32
    %mul3A_2 = arith.muli %add3A, %mul3A_1 : i32
    %broadcast_in_dim3A = arith.constant 0.000000e+00 : f32
    %broadcast_in_dim3A_3 = vector.broadcast %broadcast_in_dim3A : f32 to vector<16xf32>
    %scan3A = arith.constant 0 : i32
    %scan3A_4 = arith.constant 320 : i32
    %scan3A_5 = arith.addi %scan3A, %scan3A_4 : i32
    %scan3A_6 = arith.constant 1 : i32
    %scan3A_7:4 = scf.for %scan3A_24 = %scan3A to %scan3A_5 step %scan3A_6 iter_args(%scan3A_25 = %broadcast_in_dim3A_3, %scan3A_26 = %broadcast_in_dim3A_3, %scan3A_27 = %broadcast_in_dim3A_3, %scan3A_28 = %broadcast_in_dim3A_3) -> (vector<16xf32>, vector<16xf32>, vector<16xf32>, vector<16xf32>)  : i32 {
      %shift_right_arithmetic3A = arith.constant 3 : i32
      %shift_right_arithmetic3A_29 = arith.shrsi %scan3A_24, %shift_right_arithmetic3A : i32
      %and3A = arith.constant 7 : i32
      %and3A_30 = arith.andi %scan3A_24, %and3A : i32
      %mul3A_31 = arith.constant 16 : i32
      %mul3A_32 = arith.muli %and3A_30, %mul3A_31 : i32
      %get3A = arith.index_cast %shift_right_arithmetic3A_29 : i32 to index
      %get3A_33 = arith.index_cast %mul3A_32 : i32 to index
      %get3A_34 = tpu.vector_load %arg9[%get3A, %get3A_33] {strides = array<i32>} : memref<40x128xi32, #tpu.memory_space<vmem>>, vector<16xi32>,
      %shift_right_arithmetic3A_35 = arith.constant 3 : i32
      %shift_right_arithmetic3A_36 = arith.shrsi %scan3A_24, %shift_right_arithmetic3A_35 : i32
      %and3A_37 = arith.constant 7 : i32
      %and3A_38 = arith.andi %scan3A_24, %and3A_37 : i32
      %mul3A_39 = arith.constant 16 : i32
      %mul3A_40 = arith.muli %and3A_38, %mul3A_39 : i32
      %get3A_41 = arith.index_cast %shift_right_arithmetic3A_36 : i32 to index
      %get3A_42 = arith.index_cast %mul3A_40 : i32 to index
      %get3A_43 = tpu.vector_load %arg10[%get3A_41, %get3A_42] {strides = array<i32>} : memref<40x128xi32, #tpu.memory_space<vmem>>, vector<16xi32>,
      %gather3A = tpu.vector_load_idx %arg7[%get3A_34] : memref<10000xf32, #tpu.memory_space<vmem>>[vector<16xi32>], vector<16xf32>,
      %gather3A_44 = tpu.vector_load_idx %arg8[%get3A_34] : memref<10000xf32, #tpu.memory_space<vmem>>[vector<16xi32>], vector<16xf32>,
      %gather3A_45 = tpu.vector_load_idx %arg7[%get3A_43] : memref<10000xf32, #tpu.memory_space<vmem>>[vector<16xi32>], vector<16xf32>,
      %gather3A_46 = tpu.vector_load_idx %arg8[%get3A_43] : memref<10000xf32, #tpu.memory_space<vmem>>[vector<16xi32>], vector<16xf32>,
      %mul3A_47 = arith.constant 16 : i32
      %mul3A_48 = arith.muli %scan3A_24, %mul3A_47 : i32
      %add3A_49 = arith.addi %mul3A_2, %mul3A_48 : i32
      %add3A_50 = vector.broadcast %add3A_49 : i32 to vector<16xi32>
      %add3A_51 = arith.addi %add3A_50, %iota3A : vector<16xi32>
      %lt3A = arith.constant 160000 : i32
      %lt3A_52 = vector.broadcast %lt3A : i32 to vector<16xi32>
      %lt3A_53 = arith.cmpi slt, %add3A_51, %lt3A_52 : vector<16xi32>
      %jit3A = arith.constant 1.000000e+00 : f32
      %jit3A_54 = arith.constant 0.000000e+00 : f32
      %broadcast_in_dim3A_55 = vector.broadcast %jit3A : f32 to vector<16xf32>
      %broadcast_in_dim3A_56 = vector.broadcast %jit3A_54 : f32 to vector<16xf32>
      %select_n3A = arith.select %lt3A_53, %broadcast_in_dim3A_55, %broadcast_in_dim3A_56 : vector<16xi1>, vector<16xf32>
      %mul3A_57 = arith.mulf %gather3A_45, %select_n3A : vector<16xf32>
      %mul3A_58 = arith.mulf %gather3A_46, %select_n3A : vector<16xf32>
      %mul3A_59 = arith.mulf %gather3A, %mul3A_57 : vector<16xf32>
      %add3A_60 = arith.addf %scan3A_25, %mul3A_59 : vector<16xf32>
      %mul3A_61 = arith.mulf %gather3A, %mul3A_58 : vector<16xf32>
      %add3A_62 = arith.addf %scan3A_26, %mul3A_61 : vector<16xf32>
      %mul3A_63 = arith.mulf %gather3A_44, %mul3A_57 : vector<16xf32>
      %add3A_64 = arith.addf %scan3A_27, %mul3A_63 : vector<16xf32>
      %mul3A_65 = arith.mulf %gather3A_44, %mul3A_58 : vector<16xf32>
      %add3A_66 = arith.addf %scan3A_28, %mul3A_65 : vector<16xf32>
      scf.yield %add3A_60, %add3A_62, %add3A_64, %add3A_66 : vector<16xf32>, vector<16xf32>, vector<16xf32>, vector<16xf32>
    }
    %scan3A_8 = arith.constant 320 : i32
    %swap3A = arith.constant 0 : i32
    %swap3A_9 = arith.index_cast %swap3A : i32 to index
    %swap3A_10 = arith.constant 0 : index
    %swap3A_11 = tpu.vector_load %arg11[%swap3A_9, %swap3A_10] {strides = array<i32>} : memref<4x16xf32, #tpu.memory_space<vmem>>, vector<16xf32>,
    tpu.vector_store %arg11[%swap3A_9, %swap3A_10], %scan3A_7#0 {strides = array<i32>} : memref<4x16xf32, #tpu.memory_space<vmem>>, vector<16xf32>,
    %swap3A_12 = arith.constant 1 : i32
    %swap3A_13 = arith.index_cast %swap3A_12 : i32 to index
    %swap3A_14 = arith.constant 0 : index
    %swap3A_15 = tpu.vector_load %arg11[%swap3A_13, %swap3A_14] {strides = array<i32>} : memref<4x16xf32, #tpu.memory_space<vmem>>, vector<16xf32>,
    tpu.vector_store %arg11[%swap3A_13, %swap3A_14], %scan3A_7#1 {strides = array<i32>} : memref<4x16xf32, #tpu.memory_space<vmem>>, vector<16xf32>,
    %swap3A_16 = arith.constant 2 : i32
    %swap3A_17 = arith.index_cast %swap3A_16 : i32 to index
    %swap3A_18 = arith.constant 0 : index
    %swap3A_19 = tpu.vector_load %arg11[%swap3A_17, %swap3A_18] {strides = array<i32>} : memref<4x16xf32, #tpu.memory_space<vmem>>, vector<16xf32>,
    tpu.vector_store %arg11[%swap3A_17, %swap3A_18], %scan3A_7#2 {strides = array<i32>} : memref<4x16xf32, #tpu.memory_space<vmem>>, vector<16xf32>,
    %swap3A_20 = arith.constant 3 : i32
    %swap3A_21 = arith.index_cast %swap3A_20 : i32 to index
    %swap3A_22 = arith.constant 0 : index
    %swap3A_23 = tpu.vector_load %arg11[%swap3A_21, %swap3A_22] {strides = array<i32>} : memref<4x16xf32, #tpu.memory_space<vmem>>, vector<16xf32>,
    tpu.vector_store %arg11[%swap3A_21, %swap3A_22], %scan3A_7#3 {strides = array<i32>} : memref<4x16xf32, #tpu.memory_space<vmem>>, vector<16xf32>,
    "tpu.region"() ({
      %run_scoped3A = tpu.sem_alloc : memref<!tpu.dma_semaphore, #tpu.memory_space<semaphore_mem>>
      %dma_start3A = arith.constant 0 : i32
      %dma_start3A_24 = arith.constant 0 : i32
      %dma_start3A_25 = tpu.memref_slice %arg6[%add3A, %dma_start3A, %dma_start3A_24] : memref<32x4x16xf32, #tpu.memory_space<hbm>> -> memref<1x4x16xf32, #tpu.memory_space<hbm>>
      %dma_start3A_26 = tpu.memref_squeeze %dma_start3A_25 : memref<1x4x16xf32, #tpu.memory_space<hbm>> -> memref<4x16xf32, #tpu.memory_space<hbm>>
      %dma_start3A_27 = arith.constant 0 : i32
      %dma_start3A_28 = arith.constant 0 : i32
      %dma_start3A_29 = tpu.memref_slice %arg6[%add3A, %dma_start3A_27, %dma_start3A_28] : memref<32x4x16xf32, #tpu.memory_space<hbm>> -> memref<1x4x16xf32, #tpu.memory_space<hbm>>
      %dma_start3A_30 = tpu.memref_squeeze %dma_start3A_29 : memref<1x4x16xf32, #tpu.memory_space<hbm>> -> memref<4x16xf32, #tpu.memory_space<hbm>>
      tpu.enqueue_dma source(%arg11 : memref<4x16xf32, #tpu.memory_space<vmem>>) target(%dma_start3A_30 : memref<4x16xf32, #tpu.memory_space<hbm>>) target_semaphore(%run_scoped3A : memref<!tpu.dma_semaphore, #tpu.memory_space<semaphore_mem>>)
      %dma_wait3A = arith.constant 0 : i32
      %dma_wait3A_31 = arith.constant 0 : i32
      %dma_wait3A_32 = tpu.memref_slice %arg6[%add3A, %dma_wait3A, %dma_wait3A_31] : memref<32x4x16xf32, #tpu.memory_space<hbm>> -> memref<1x4x16xf32, #tpu.memory_space<hbm>>
      %dma_wait3A_33 = tpu.memref_squeeze %dma_wait3A_32 : memref<1x4x16xf32, #tpu.memory_space<hbm>> -> memref<4x16xf32, #tpu.memory_space<hbm>>
      %dma_wait3A_34 = arith.constant 0 : i32
      %dma_wait3A_35 = arith.constant 0 : i32
      %dma_wait3A_36 = tpu.memref_slice %arg6[%add3A, %dma_wait3A_34, %dma_wait3A_35] : memref<32x4x16xf32, #tpu.memory_space<hbm>> -> memref<1x4x16xf32, #tpu.memory_space<hbm>>
      %dma_wait3A_37 = tpu.memref_squeeze %dma_wait3A_36 : memref<1x4x16xf32, #tpu.memory_space<hbm>> -> memref<4x16xf32, #tpu.memory_space<hbm>>
      tpu.wait_dma2 semaphore(%run_scoped3A : memref<!tpu.dma_semaphore, #tpu.memory_space<semaphore_mem>>) src(%arg11 : memref<4x16xf32, #tpu.memory_space<vmem>>) dst(%dma_wait3A_37 : memref<4x16xf32, #tpu.memory_space<hbm>>)
      tpu.yield
    }) : () -> ()
    return
  }
}

#map = affine_map<(d0, d1) -> (0, 0)>
#map1 = affine_map<(d0, d1) -> (0, 0, 0)>
module attributes {stable_mosaic.version = 14 : i64} {
  func.func @body(%arg0: i32, %arg1: i32, %arg2: memref<10000x128xf32, #tpu.memory_space<hbm>>, %arg3: memref<32x40x125xi32, #tpu.memory_space<hbm>>, %arg4: memref<32x40x125xi32, #tpu.memory_space<hbm>>, %arg5: memref<10000x128xf32, #tpu.memory_space<hbm>>, %arg6: memref<2x10000x128xf32, #tpu.memory_space<hbm>>, %arg7: memref<40x125xi32, #tpu.memory_space<vmem>>, %arg8: memref<40x125xi32, #tpu.memory_space<vmem>>, %arg9: memref<125x128xf32, #tpu.memory_space<vmem>>, %arg10: memref<125x128xf32, #tpu.memory_space<vmem>>, %arg11: memref<10000x128xf32, #tpu.memory_space<vmem_shared>>, %arg12: memref<!tpu.dma_semaphore, #tpu.memory_space<semaphore_mem>>, %arg13: memref<!tpu.dma_semaphore, #tpu.memory_space<semaphore_mem>>, %arg14: memref<!tpu.dma_semaphore, #tpu.memory_space<semaphore_mem>>, %arg15: memref<!tpu.dma_semaphore, #tpu.memory_space<semaphore_mem>>) attributes {dimension_semantics = [#tpu.dimension_semantics<core_parallel>, #tpu.dimension_semantics<subcore_parallel>], iteration_bounds = array<i64: 2, 16>, scalar_prefetch = 0 : i64, scratch_operands = 9 : i64, tpu.core_type = #tpu.core_type<sc_vector_subcore>, window_params = [{transform_indices = #map}, {transform_indices = #map1}, {transform_indices = #map1}, {transform_indices = #map}, {transform_indices = #map1}]} {
    %mul3A = arith.constant 2 : i32
    %mul3A_0 = arith.muli %arg1, %mul3A : i32
    %add3A = arith.addi %mul3A_0, %arg0 : i32
    %mul3A_1 = arith.constant 624 : i32
    %mul3A_2 = arith.muli %arg1, %mul3A_1 : i32
    "tpu.region"() ({
      %run_scoped3A = tpu.sem_alloc : memref<!tpu.dma_semaphore, #tpu.memory_space<semaphore_mem>>
      %dma_start3A_42 = arith.constant 0 : i32
      %dma_start3A_43 = tpu.memref_slice %arg11[%mul3A_2, %dma_start3A_42] : memref<10000x128xf32, #tpu.memory_space<vmem_shared>> -> memref<624x128xf32, #tpu.memory_space<vmem_shared>>
      %dma_start3A_44 = arith.constant 0 : i32
      %dma_start3A_45 = tpu.memref_slice %arg5[%mul3A_2, %dma_start3A_44] : memref<10000x128xf32, #tpu.memory_space<hbm>> -> memref<624x128xf32, #tpu.memory_space<hbm>>
      tpu.enqueue_dma source(%dma_start3A_45 : memref<624x128xf32, #tpu.memory_space<hbm>>) target(%dma_start3A_43 : memref<624x128xf32, #tpu.memory_space<vmem_shared>>) target_semaphore(%run_scoped3A : memref<!tpu.dma_semaphore, #tpu.memory_space<semaphore_mem>>)
      %dma_wait3A_46 = arith.constant 0 : i32
      %dma_wait3A_47 = tpu.memref_slice %arg11[%mul3A_2, %dma_wait3A_46] : memref<10000x128xf32, #tpu.memory_space<vmem_shared>> -> memref<624x128xf32, #tpu.memory_space<vmem_shared>>
      %dma_wait3A_48 = arith.constant 0 : i32
      %dma_wait3A_49 = tpu.memref_slice %arg5[%mul3A_2, %dma_wait3A_48] : memref<10000x128xf32, #tpu.memory_space<hbm>> -> memref<624x128xf32, #tpu.memory_space<hbm>>
      tpu.wait_dma2 semaphore(%run_scoped3A : memref<!tpu.dma_semaphore, #tpu.memory_space<semaphore_mem>>) src(%dma_wait3A_49 : memref<624x128xf32, #tpu.memory_space<hbm>>) dst(%dma_wait3A_47 : memref<624x128xf32, #tpu.memory_space<vmem_shared>>)
      tpu.yield
    }) : () -> ()
    %eq3A = arith.constant 15 : i32
    %eq3A_3 = arith.cmpi eq, %arg1, %eq3A : i32
    %convert_element_type3A = arith.extui %eq3A_3 : i1 to i32
    %cond3A = arith.constant 0 : i32
    %cond3A_4 = arith.cmpi ne, %convert_element_type3A, %cond3A : i32
    scf.if %cond3A_4 {
      "tpu.region"() ({
        %run_scoped3A = tpu.sem_alloc : memref<!tpu.dma_semaphore, #tpu.memory_space<semaphore_mem>>
        %dma_start3A_42 = arith.constant 9984 : i32
        %dma_start3A_43 = arith.constant 0 : i32
        %dma_start3A_44 = tpu.memref_slice %arg11[%dma_start3A_42, %dma_start3A_43] : memref<10000x128xf32, #tpu.memory_space<vmem_shared>> -> memref<16x128xf32, #tpu.memory_space<vmem_shared>>
        %dma_start3A_45 = arith.constant 9984 : i32
        %dma_start3A_46 = arith.constant 0 : i32
        %dma_start3A_47 = tpu.memref_slice %arg5[%dma_start3A_45, %dma_start3A_46] : memref<10000x128xf32, #tpu.memory_space<hbm>> -> memref<16x128xf32, #tpu.memory_space<hbm>>
        tpu.enqueue_dma source(%dma_start3A_47 : memref<16x128xf32, #tpu.memory_space<hbm>>) target(%dma_start3A_44 : memref<16x128xf32, #tpu.memory_space<vmem_shared>>) target_semaphore(%run_scoped3A : memref<!tpu.dma_semaphore, #tpu.memory_space<semaphore_mem>>)
        %dma_wait3A_48 = arith.constant 9984 : i32
        %dma_wait3A_49 = arith.constant 0 : i32
        %dma_wait3A_50 = tpu.memref_slice %arg11[%dma_wait3A_48, %dma_wait3A_49] : memref<10000x128xf32, #tpu.memory_space<vmem_shared>> -> memref<16x128xf32, #tpu.memory_space<vmem_shared>>
        %dma_wait3A_51 = arith.constant 9984 : i32
        %dma_wait3A_52 = arith.constant 0 : i32
        %dma_wait3A_53 = tpu.memref_slice %arg5[%dma_wait3A_51, %dma_wait3A_52] : memref<10000x128xf32, #tpu.memory_space<hbm>> -> memref<16x128xf32, #tpu.memory_space<hbm>>
        tpu.wait_dma2 semaphore(%run_scoped3A : memref<!tpu.dma_semaphore, #tpu.memory_space<semaphore_mem>>) src(%dma_wait3A_53 : memref<16x128xf32, #tpu.memory_space<hbm>>) dst(%dma_wait3A_50 : memref<16x128xf32, #tpu.memory_space<vmem_shared>>)
        tpu.yield
      }) : () -> ()
    } else {
    }
    "tpu.region"() ({
      %run_scoped3A = tpu.sem_alloc : memref<!tpu.dma_semaphore, #tpu.memory_space<semaphore_mem>>
      %dma_start3A_42 = arith.constant 0 : i32
      %dma_start3A_43 = arith.constant 0 : i32
      %dma_start3A_44 = tpu.memref_slice %arg3[%add3A, %dma_start3A_42, %dma_start3A_43] : memref<32x40x125xi32, #tpu.memory_space<hbm>> -> memref<1x40x125xi32, #tpu.memory_space<hbm>>
      %dma_start3A_45 = tpu.memref_squeeze %dma_start3A_44 : memref<1x40x125xi32, #tpu.memory_space<hbm>> -> memref<40x125xi32, #tpu.memory_space<hbm>>
      %dma_start3A_46 = arith.constant 0 : i32
      %dma_start3A_47 = arith.constant 0 : i32
      %dma_start3A_48 = tpu.memref_slice %arg3[%add3A, %dma_start3A_46, %dma_start3A_47] : memref<32x40x125xi32, #tpu.memory_space<hbm>> -> memref<1x40x125xi32, #tpu.memory_space<hbm>>
      %dma_start3A_49 = tpu.memref_squeeze %dma_start3A_48 : memref<1x40x125xi32, #tpu.memory_space<hbm>> -> memref<40x125xi32, #tpu.memory_space<hbm>>
      tpu.enqueue_dma source(%dma_start3A_49 : memref<40x125xi32, #tpu.memory_space<hbm>>) target(%arg7 : memref<40x125xi32, #tpu.memory_space<vmem>>) target_semaphore(%run_scoped3A : memref<!tpu.dma_semaphore, #tpu.memory_space<semaphore_mem>>)
      %dma_wait3A_50 = arith.constant 0 : i32
      %dma_wait3A_51 = arith.constant 0 : i32
      %dma_wait3A_52 = tpu.memref_slice %arg3[%add3A, %dma_wait3A_50, %dma_wait3A_51] : memref<32x40x125xi32, #tpu.memory_space<hbm>> -> memref<1x40x125xi32, #tpu.memory_space<hbm>>
      %dma_wait3A_53 = tpu.memref_squeeze %dma_wait3A_52 : memref<1x40x125xi32, #tpu.memory_space<hbm>> -> memref<40x125xi32, #tpu.memory_space<hbm>>
      %dma_wait3A_54 = arith.constant 0 : i32
      %dma_wait3A_55 = arith.constant 0 : i32
      %dma_wait3A_56 = tpu.memref_slice %arg3[%add3A, %dma_wait3A_54, %dma_wait3A_55] : memref<32x40x125xi32, #tpu.memory_space<hbm>> -> memref<1x40x125xi32, #tpu.memory_space<hbm>>
      %dma_wait3A_57 = tpu.memref_squeeze %dma_wait3A_56 : memref<1x40x125xi32, #tpu.memory_space<hbm>> -> memref<40x125xi32, #tpu.memory_space<hbm>>
      tpu.wait_dma2 semaphore(%run_scoped3A : memref<!tpu.dma_semaphore, #tpu.memory_space<semaphore_mem>>) src(%dma_wait3A_57 : memref<40x125xi32, #tpu.memory_space<hbm>>) dst(%arg7 : memref<40x125xi32, #tpu.memory_space<vmem>>)
      tpu.yield
    }) : () -> ()
    "tpu.region"() ({
      %run_scoped3A = tpu.sem_alloc : memref<!tpu.dma_semaphore, #tpu.memory_space<semaphore_mem>>
      %dma_start3A_42 = arith.constant 0 : i32
      %dma_start3A_43 = arith.constant 0 : i32
      %dma_start3A_44 = tpu.memref_slice %arg4[%add3A, %dma_start3A_42, %dma_start3A_43] : memref<32x40x125xi32, #tpu.memory_space<hbm>> -> memref<1x40x125xi32, #tpu.memory_space<hbm>>
      %dma_start3A_45 = tpu.memref_squeeze %dma_start3A_44 : memref<1x40x125xi32, #tpu.memory_space<hbm>> -> memref<40x125xi32, #tpu.memory_space<hbm>>
      %dma_start3A_46 = arith.constant 0 : i32
      %dma_start3A_47 = arith.constant 0 : i32
      %dma_start3A_48 = tpu.memref_slice %arg4[%add3A, %dma_start3A_46, %dma_start3A_47] : memref<32x40x125xi32, #tpu.memory_space<hbm>> -> memref<1x40x125xi32, #tpu.memory_space<hbm>>
      %dma_start3A_49 = tpu.memref_squeeze %dma_start3A_48 : memref<1x40x125xi32, #tpu.memory_space<hbm>> -> memref<40x125xi32, #tpu.memory_space<hbm>>
      tpu.enqueue_dma source(%dma_start3A_49 : memref<40x125xi32, #tpu.memory_space<hbm>>) target(%arg8 : memref<40x125xi32, #tpu.memory_space<vmem>>) target_semaphore(%run_scoped3A : memref<!tpu.dma_semaphore, #tpu.memory_space<semaphore_mem>>)
      %dma_wait3A_50 = arith.constant 0 : i32
      %dma_wait3A_51 = arith.constant 0 : i32
      %dma_wait3A_52 = tpu.memref_slice %arg4[%add3A, %dma_wait3A_50, %dma_wait3A_51] : memref<32x40x125xi32, #tpu.memory_space<hbm>> -> memref<1x40x125xi32, #tpu.memory_space<hbm>>
      %dma_wait3A_53 = tpu.memref_squeeze %dma_wait3A_52 : memref<1x40x125xi32, #tpu.memory_space<hbm>> -> memref<40x125xi32, #tpu.memory_space<hbm>>
      %dma_wait3A_54 = arith.constant 0 : i32
      %dma_wait3A_55 = arith.constant 0 : i32
      %dma_wait3A_56 = tpu.memref_slice %arg4[%add3A, %dma_wait3A_54, %dma_wait3A_55] : memref<32x40x125xi32, #tpu.memory_space<hbm>> -> memref<1x40x125xi32, #tpu.memory_space<hbm>>
      %dma_wait3A_57 = tpu.memref_squeeze %dma_wait3A_56 : memref<1x40x125xi32, #tpu.memory_space<hbm>> -> memref<40x125xi32, #tpu.memory_space<hbm>>
      tpu.wait_dma2 semaphore(%run_scoped3A : memref<!tpu.dma_semaphore, #tpu.memory_space<semaphore_mem>>) src(%dma_wait3A_57 : memref<40x125xi32, #tpu.memory_space<hbm>>) dst(%arg8 : memref<40x125xi32, #tpu.memory_space<vmem>>)
      tpu.yield
    }) : () -> ()
    %barrier3A = arith.constant 0 : index
    tpu.barrier barrier_id(%barrier3A)
    %dma_start3A = arith.constant 0 : i32
    %dma_start3A_5 = arith.constant 0 : i32
    %dma_start3A_6 = tpu.memref_slice %arg7[%dma_start3A, %dma_start3A_5] : memref<40x125xi32, #tpu.memory_space<vmem>> -> memref<1x125xi32, #tpu.memory_space<vmem>>
    %dma_start3A_7 = tpu.memref_squeeze %dma_start3A_6 : memref<1x125xi32, #tpu.memory_space<vmem>> -> memref<125xi32, #tpu.memory_space<vmem>>
    %dma_start3A_8 = arith.constant 0 : i32
    %dma_start3A_9 = arith.constant 0 : i32
    %dma_start3A_10 = tpu.memref_slice %arg2[%dma_start3A_8, %dma_start3A_9] : memref<10000x128xf32, #tpu.memory_space<hbm>> -> memref<10000x128xf32, #tpu.memory_space<hbm>>
    tpu.enqueue_indirect_dma source(%dma_start3A_10 : memref<10000x128xf32, #tpu.memory_space<hbm>>) target(%arg9 : memref<125x128xf32, #tpu.memory_space<vmem>>) offsets(%dma_start3A_7 : memref<125xi32, #tpu.memory_space<vmem>>) semaphore(%arg12 : memref<!tpu.dma_semaphore, #tpu.memory_space<semaphore_mem>>)
    %dma_start3A_11 = arith.constant 1 : i32
    %dma_start3A_12 = arith.constant 0 : i32
    %dma_start3A_13 = tpu.memref_slice %arg7[%dma_start3A_11, %dma_start3A_12] : memref<40x125xi32, #tpu.memory_space<vmem>> -> memref<1x125xi32, #tpu.memory_space<vmem>>
    %dma_start3A_14 = tpu.memref_squeeze %dma_start3A_13 : memref<1x125xi32, #tpu.memory_space<vmem>> -> memref<125xi32, #tpu.memory_space<vmem>>
    %dma_start3A_15 = arith.constant 0 : i32
    %dma_start3A_16 = arith.constant 0 : i32
    %dma_start3A_17 = tpu.memref_slice %arg2[%dma_start3A_15, %dma_start3A_16] : memref<10000x128xf32, #tpu.memory_space<hbm>> -> memref<10000x128xf32, #tpu.memory_space<hbm>>
    tpu.enqueue_indirect_dma source(%dma_start3A_17 : memref<10000x128xf32, #tpu.memory_space<hbm>>) target(%arg10 : memref<125x128xf32, #tpu.memory_space<vmem>>) offsets(%dma_start3A_14 : memref<125xi32, #tpu.memory_space<vmem>>) semaphore(%arg13 : memref<!tpu.dma_semaphore, #tpu.memory_space<semaphore_mem>>)
    %scan3A = arith.constant 0 : i32
    %scan3A_18 = arith.constant 0 : i32
    %scan3A_19 = arith.constant 20 : i32
    %scan3A_20 = arith.addi %scan3A_18, %scan3A_19 : i32
    %scan3A_21 = arith.constant 1 : i32
    scf.for %scan3A_42 = %scan3A_18 to %scan3A_20 step %scan3A_21  : i32 {
      %mul3A_43 = arith.constant 2 : i32
      %mul3A_44 = arith.muli %mul3A_43, %scan3A_42 : i32
      %add3A_45 = arith.constant 0 : i32
      %add3A_46 = arith.addi %mul3A_44, %add3A_45 : i32
      %dma_wait3A_47 = arith.constant 0 : i32
      %dma_wait3A_48 = tpu.memref_slice %arg7[%add3A_46, %dma_wait3A_47] : memref<40x125xi32, #tpu.memory_space<vmem>> -> memref<1x125xi32, #tpu.memory_space<vmem>>
      %dma_wait3A_49 = tpu.memref_squeeze %dma_wait3A_48 : memref<1x125xi32, #tpu.memory_space<vmem>> -> memref<125xi32, #tpu.memory_space<vmem>>
      %dma_wait3A_50 = arith.constant 0 : i32
      %dma_wait3A_51 = arith.constant 0 : i32
      %dma_wait3A_52 = tpu.memref_slice %arg2[%dma_wait3A_50, %dma_wait3A_51] : memref<10000x128xf32, #tpu.memory_space<hbm>> -> memref<10000x128xf32, #tpu.memory_space<hbm>>
      tpu.wait_indirect_dma semaphore(%arg12 : memref<!tpu.dma_semaphore, #tpu.memory_space<semaphore_mem>>) src(%dma_wait3A_52 : memref<10000x128xf32, #tpu.memory_space<hbm>>) dst(%arg9 : memref<125x128xf32, #tpu.memory_space<vmem>>)
      %add3A_53 = arith.constant 0 : i32
      %add3A_54 = arith.addi %mul3A_44, %add3A_53 : i32
      %dma_start3A_55 = arith.constant 0 : i32
      %dma_start3A_56 = tpu.memref_slice %arg8[%add3A_54, %dma_start3A_55] : memref<40x125xi32, #tpu.memory_space<vmem>> -> memref<1x125xi32, #tpu.memory_space<vmem>>
      %dma_start3A_57 = tpu.memref_squeeze %dma_start3A_56 : memref<1x125xi32, #tpu.memory_space<vmem>> -> memref<125xi32, #tpu.memory_space<vmem>>
      %dma_start3A_58 = arith.constant 0 : i32
      %dma_start3A_59 = arith.constant 0 : i32
      %dma_start3A_60 = tpu.memref_slice %arg11[%dma_start3A_58, %dma_start3A_59] : memref<10000x128xf32, #tpu.memory_space<vmem_shared>> -> memref<10000x128xf32, #tpu.memory_space<vmem_shared>>
      tpu.enqueue_indirect_dma source(%arg9 : memref<125x128xf32, #tpu.memory_space<vmem>>) target(%dma_start3A_60 : memref<10000x128xf32, #tpu.memory_space<vmem_shared>>) offsets(%dma_start3A_57 : memref<125xi32, #tpu.memory_space<vmem>>) semaphore(%arg14 : memref<!tpu.dma_semaphore, #tpu.memory_space<semaphore_mem>>) {add = true}
      %add3A_61 = arith.constant 1 : i32
      %add3A_62 = arith.addi %mul3A_44, %add3A_61 : i32
      %dma_wait3A_63 = arith.constant 0 : i32
      %dma_wait3A_64 = tpu.memref_slice %arg7[%add3A_62, %dma_wait3A_63] : memref<40x125xi32, #tpu.memory_space<vmem>> -> memref<1x125xi32, #tpu.memory_space<vmem>>
      %dma_wait3A_65 = tpu.memref_squeeze %dma_wait3A_64 : memref<1x125xi32, #tpu.memory_space<vmem>> -> memref<125xi32, #tpu.memory_space<vmem>>
      %dma_wait3A_66 = arith.constant 0 : i32
      %dma_wait3A_67 = arith.constant 0 : i32
      %dma_wait3A_68 = tpu.memref_slice %arg2[%dma_wait3A_66, %dma_wait3A_67] : memref<10000x128xf32, #tpu.memory_space<hbm>> -> memref<10000x128xf32, #tpu.memory_space<hbm>>
      tpu.wait_indirect_dma semaphore(%arg13 : memref<!tpu.dma_semaphore, #tpu.memory_space<semaphore_mem>>) src(%dma_wait3A_68 : memref<10000x128xf32, #tpu.memory_space<hbm>>) dst(%arg10 : memref<125x128xf32, #tpu.memory_space<vmem>>)
      %add3A_69 = arith.constant 1 : i32
      %add3A_70 = arith.addi %mul3A_44, %add3A_69 : i32
      %dma_start3A_71 = arith.constant 0 : i32
      %dma_start3A_72 = tpu.memref_slice %arg8[%add3A_70, %dma_start3A_71] : memref<40x125xi32, #tpu.memory_space<vmem>> -> memref<1x125xi32, #tpu.memory_space<vmem>>
      %dma_start3A_73 = tpu.memref_squeeze %dma_start3A_72 : memref<1x125xi32, #tpu.memory_space<vmem>> -> memref<125xi32, #tpu.memory_space<vmem>>
      %dma_start3A_74 = arith.constant 0 : i32
      %dma_start3A_75 = arith.constant 0 : i32
      %dma_start3A_76 = tpu.memref_slice %arg11[%dma_start3A_74, %dma_start3A_75] : memref<10000x128xf32, #tpu.memory_space<vmem_shared>> -> memref<10000x128xf32, #tpu.memory_space<vmem_shared>>
      tpu.enqueue_indirect_dma source(%arg10 : memref<125x128xf32, #tpu.memory_space<vmem>>) target(%dma_start3A_76 : memref<10000x128xf32, #tpu.memory_space<vmem_shared>>) offsets(%dma_start3A_73 : memref<125xi32, #tpu.memory_space<vmem>>) semaphore(%arg15 : memref<!tpu.dma_semaphore, #tpu.memory_space<semaphore_mem>>) {add = true}
      %lt3A = arith.constant 19 : i32
      %lt3A_77 = arith.cmpi slt, %scan3A_42, %lt3A : i32
      %convert_element_type3A_78 = arith.extui %lt3A_77 : i1 to i32
      %cond3A_79 = arith.constant 0 : i32
      %cond3A_80 = arith.cmpi ne, %convert_element_type3A_78, %cond3A_79 : i32
      scf.if %cond3A_80 {
        %add3A_81 = arith.constant 0 : i32
        %add3A_82 = arith.addi %mul3A_44, %add3A_81 : i32
        %dma_wait3A_83 = arith.constant 0 : i32
        %dma_wait3A_84 = tpu.memref_slice %arg8[%add3A_82, %dma_wait3A_83] : memref<40x125xi32, #tpu.memory_space<vmem>> -> memref<1x125xi32, #tpu.memory_space<vmem>>
        %dma_wait3A_85 = tpu.memref_squeeze %dma_wait3A_84 : memref<1x125xi32, #tpu.memory_space<vmem>> -> memref<125xi32, #tpu.memory_space<vmem>>
        %dma_wait3A_86 = arith.constant 0 : i32
        %dma_wait3A_87 = arith.constant 0 : i32
        %dma_wait3A_88 = tpu.memref_slice %arg11[%dma_wait3A_86, %dma_wait3A_87] : memref<10000x128xf32, #tpu.memory_space<vmem_shared>> -> memref<10000x128xf32, #tpu.memory_space<vmem_shared>>
        tpu.wait_indirect_dma semaphore(%arg14 : memref<!tpu.dma_semaphore, #tpu.memory_space<semaphore_mem>>) src(%arg9 : memref<125x128xf32, #tpu.memory_space<vmem>>) dst(%dma_wait3A_88 : memref<10000x128xf32, #tpu.memory_space<vmem_shared>>)
        %add3A_89 = arith.constant 2 : i32
        %add3A_90 = arith.addi %mul3A_44, %add3A_89 : i32
        %add3A_91 = arith.constant 0 : i32
        %add3A_92 = arith.addi %add3A_90, %add3A_91 : i32
        %dma_start3A_93 = arith.constant 0 : i32
        %dma_start3A_94 = tpu.memref_slice %arg7[%add3A_92, %dma_start3A_93] : memref<40x125xi32, #tpu.memory_space<vmem>> -> memref<1x125xi32, #tpu.memory_space<vmem>>
        %dma_start3A_95 = tpu.memref_squeeze %dma_start3A_94 : memref<1x125xi32, #tpu.memory_space<vmem>> -> memref<125xi32, #tpu.memory_space<vmem>>
        %dma_start3A_96 = arith.constant 0 : i32
        %dma_start3A_97 = arith.constant 0 : i32
        %dma_start3A_98 = tpu.memref_slice %arg2[%dma_start3A_96, %dma_start3A_97] : memref<10000x128xf32, #tpu.memory_space<hbm>> -> memref<10000x128xf32, #tpu.memory_space<hbm>>
        tpu.enqueue_indirect_dma source(%dma_start3A_98 : memref<10000x128xf32, #tpu.memory_space<hbm>>) target(%arg9 : memref<125x128xf32, #tpu.memory_space<vmem>>) offsets(%dma_start3A_95 : memref<125xi32, #tpu.memory_space<vmem>>) semaphore(%arg12 : memref<!tpu.dma_semaphore, #tpu.memory_space<semaphore_mem>>)
        %add3A_99 = arith.constant 1 : i32
        %add3A_100 = arith.addi %mul3A_44, %add3A_99 : i32
        %dma_wait3A_101 = arith.constant 0 : i32
        %dma_wait3A_102 = tpu.memref_slice %arg8[%add3A_100, %dma_wait3A_101] : memref<40x125xi32, #tpu.memory_space<vmem>> -> memref<1x125xi32, #tpu.memory_space<vmem>>
        %dma_wait3A_103 = tpu.memref_squeeze %dma_wait3A_102 : memref<1x125xi32, #tpu.memory_space<vmem>> -> memref<125xi32, #tpu.memory_space<vmem>>
        %dma_wait3A_104 = arith.constant 0 : i32
        %dma_wait3A_105 = arith.constant 0 : i32
        %dma_wait3A_106 = tpu.memref_slice %arg11[%dma_wait3A_104, %dma_wait3A_105] : memref<10000x128xf32, #tpu.memory_space<vmem_shared>> -> memref<10000x128xf32, #tpu.memory_space<vmem_shared>>
        tpu.wait_indirect_dma semaphore(%arg15 : memref<!tpu.dma_semaphore, #tpu.memory_space<semaphore_mem>>) src(%arg10 : memref<125x128xf32, #tpu.memory_space<vmem>>) dst(%dma_wait3A_106 : memref<10000x128xf32, #tpu.memory_space<vmem_shared>>)
        %add3A_107 = arith.constant 2 : i32
        %add3A_108 = arith.addi %mul3A_44, %add3A_107 : i32
        %add3A_109 = arith.constant 1 : i32
        %add3A_110 = arith.addi %add3A_108, %add3A_109 : i32
        %dma_start3A_111 = arith.constant 0 : i32
        %dma_start3A_112 = tpu.memref_slice %arg7[%add3A_110, %dma_start3A_111] : memref<40x125xi32, #tpu.memory_space<vmem>> -> memref<1x125xi32, #tpu.memory_space<vmem>>
        %dma_start3A_113 = tpu.memref_squeeze %dma_start3A_112 : memref<1x125xi32, #tpu.memory_space<vmem>> -> memref<125xi32, #tpu.memory_space<vmem>>
        %dma_start3A_114 = arith.constant 0 : i32
        %dma_start3A_115 = arith.constant 0 : i32
        %dma_start3A_116 = tpu.memref_slice %arg2[%dma_start3A_114, %dma_start3A_115] : memref<10000x128xf32, #tpu.memory_space<hbm>> -> memref<10000x128xf32, #tpu.memory_space<hbm>>
        tpu.enqueue_indirect_dma source(%dma_start3A_116 : memref<10000x128xf32, #tpu.memory_space<hbm>>) target(%arg10 : memref<125x128xf32, #tpu.memory_space<vmem>>) offsets(%dma_start3A_113 : memref<125xi32, #tpu.memory_space<vmem>>) semaphore(%arg13 : memref<!tpu.dma_semaphore, #tpu.memory_space<semaphore_mem>>)
      } else {
      }
    }
    %scan3A_22 = arith.constant 20 : i32
    %dma_wait3A = arith.constant 38 : i32
    %dma_wait3A_23 = arith.constant 0 : i32
    %dma_wait3A_24 = tpu.memref_slice %arg8[%dma_wait3A, %dma_wait3A_23] : memref<40x125xi32, #tpu.memory_space<vmem>> -> memref<1x125xi32, #tpu.memory_space<vmem>>
    %dma_wait3A_25 = tpu.memref_squeeze %dma_wait3A_24 : memref<1x125xi32, #tpu.memory_space<vmem>> -> memref<125xi32, #tpu.memory_space<vmem>>
    %dma_wait3A_26 = arith.constant 0 : i32
    %dma_wait3A_27 = arith.constant 0 : i32
    %dma_wait3A_28 = tpu.memref_slice %arg11[%dma_wait3A_26, %dma_wait3A_27] : memref<10000x128xf32, #tpu.memory_space<vmem_shared>> -> memref<10000x128xf32, #tpu.memory_space<vmem_shared>>
    tpu.wait_indirect_dma semaphore(%arg14 : memref<!tpu.dma_semaphore, #tpu.memory_space<semaphore_mem>>) src(%arg9 : memref<125x128xf32, #tpu.memory_space<vmem>>) dst(%dma_wait3A_28 : memref<10000x128xf32, #tpu.memory_space<vmem_shared>>)
    %dma_wait3A_29 = arith.constant 39 : i32
    %dma_wait3A_30 = arith.constant 0 : i32
    %dma_wait3A_31 = tpu.memref_slice %arg8[%dma_wait3A_29, %dma_wait3A_30] : memref<40x125xi32, #tpu.memory_space<vmem>> -> memref<1x125xi32, #tpu.memory_space<vmem>>
    %dma_wait3A_32 = tpu.memref_squeeze %dma_wait3A_31 : memref<1x125xi32, #tpu.memory_space<vmem>> -> memref<125xi32, #tpu.memory_space<vmem>>
    %dma_wait3A_33 = arith.constant 0 : i32
    %dma_wait3A_34 = arith.constant 0 : i32
    %dma_wait3A_35 = tpu.memref_slice %arg11[%dma_wait3A_33, %dma_wait3A_34] : memref<10000x128xf32, #tpu.memory_space<vmem_shared>> -> memref<10000x128xf32, #tpu.memory_space<vmem_shared>>
    tpu.wait_indirect_dma semaphore(%arg15 : memref<!tpu.dma_semaphore, #tpu.memory_space<semaphore_mem>>) src(%arg10 : memref<125x128xf32, #tpu.memory_space<vmem>>) dst(%dma_wait3A_35 : memref<10000x128xf32, #tpu.memory_space<vmem_shared>>)
    %barrier3A_36 = arith.constant 0 : index
    tpu.barrier barrier_id(%barrier3A_36)
    "tpu.region"() ({
      %run_scoped3A = tpu.sem_alloc : memref<!tpu.dma_semaphore, #tpu.memory_space<semaphore_mem>>
      %dma_start3A_42 = arith.constant 0 : i32
      %dma_start3A_43 = tpu.memref_slice %arg6[%arg0, %mul3A_2, %dma_start3A_42] : memref<2x10000x128xf32, #tpu.memory_space<hbm>> -> memref<1x624x128xf32, #tpu.memory_space<hbm>>
      %dma_start3A_44 = tpu.memref_squeeze %dma_start3A_43 : memref<1x624x128xf32, #tpu.memory_space<hbm>> -> memref<624x128xf32, #tpu.memory_space<hbm>>
      %dma_start3A_45 = arith.constant 0 : i32
      %dma_start3A_46 = tpu.memref_slice %arg11[%mul3A_2, %dma_start3A_45] : memref<10000x128xf32, #tpu.memory_space<vmem_shared>> -> memref<624x128xf32, #tpu.memory_space<vmem_shared>>
      tpu.enqueue_dma source(%dma_start3A_46 : memref<624x128xf32, #tpu.memory_space<vmem_shared>>) target(%dma_start3A_44 : memref<624x128xf32, #tpu.memory_space<hbm>>) target_semaphore(%run_scoped3A : memref<!tpu.dma_semaphore, #tpu.memory_space<semaphore_mem>>)
      %dma_wait3A_47 = arith.constant 0 : i32
      %dma_wait3A_48 = tpu.memref_slice %arg6[%arg0, %mul3A_2, %dma_wait3A_47] : memref<2x10000x128xf32, #tpu.memory_space<hbm>> -> memref<1x624x128xf32, #tpu.memory_space<hbm>>
      %dma_wait3A_49 = tpu.memref_squeeze %dma_wait3A_48 : memref<1x624x128xf32, #tpu.memory_space<hbm>> -> memref<624x128xf32, #tpu.memory_space<hbm>>
      %dma_wait3A_50 = arith.constant 0 : i32
      %dma_wait3A_51 = tpu.memref_slice %arg11[%mul3A_2, %dma_wait3A_50] : memref<10000x128xf32, #tpu.memory_space<vmem_shared>> -> memref<624x128xf32, #tpu.memory_space<vmem_shared>>
      tpu.wait_dma2 semaphore(%run_scoped3A : memref<!tpu.dma_semaphore, #tpu.memory_space<semaphore_mem>>) src(%dma_wait3A_51 : memref<624x128xf32, #tpu.memory_space<vmem_shared>>) dst(%dma_wait3A_49 : memref<624x128xf32, #tpu.memory_space<hbm>>)
      tpu.yield
    }) : () -> ()
    %eq3A_37 = arith.constant 15 : i32
    %eq3A_38 = arith.cmpi eq, %arg1, %eq3A_37 : i32
    %convert_element_type3A_39 = arith.extui %eq3A_38 : i1 to i32
    %cond3A_40 = arith.constant 0 : i32
    %cond3A_41 = arith.cmpi ne, %convert_element_type3A_39, %cond3A_40 : i32
    scf.if %cond3A_41 {
      "tpu.region"() ({
        %run_scoped3A = tpu.sem_alloc : memref<!tpu.dma_semaphore, #tpu.memory_space<semaphore_mem>>
        %dma_start3A_42 = arith.constant 9984 : i32
        %dma_start3A_43 = arith.constant 0 : i32
        %dma_start3A_44 = tpu.memref_slice %arg6[%arg0, %dma_start3A_42, %dma_start3A_43] : memref<2x10000x128xf32, #tpu.memory_space<hbm>> -> memref<1x16x128xf32, #tpu.memory_space<hbm>>
        %dma_start3A_45 = tpu.memref_squeeze %dma_start3A_44 : memref<1x16x128xf32, #tpu.memory_space<hbm>> -> memref<16x128xf32, #tpu.memory_space<hbm>>
        %dma_start3A_46 = arith.constant 9984 : i32
        %dma_start3A_47 = arith.constant 0 : i32
        %dma_start3A_48 = tpu.memref_slice %arg11[%dma_start3A_46, %dma_start3A_47] : memref<10000x128xf32, #tpu.memory_space<vmem_shared>> -> memref<16x128xf32, #tpu.memory_space<vmem_shared>>
        tpu.enqueue_dma source(%dma_start3A_48 : memref<16x128xf32, #tpu.memory_space<vmem_shared>>) target(%dma_start3A_45 : memref<16x128xf32, #tpu.memory_space<hbm>>) target_semaphore(%run_scoped3A : memref<!tpu.dma_semaphore, #tpu.memory_space<semaphore_mem>>)
        %dma_wait3A_49 = arith.constant 9984 : i32
        %dma_wait3A_50 = arith.constant 0 : i32
        %dma_wait3A_51 = tpu.memref_slice %arg6[%arg0, %dma_wait3A_49, %dma_wait3A_50] : memref<2x10000x128xf32, #tpu.memory_space<hbm>> -> memref<1x16x128xf32, #tpu.memory_space<hbm>>
        %dma_wait3A_52 = tpu.memref_squeeze %dma_wait3A_51 : memref<1x16x128xf32, #tpu.memory_space<hbm>> -> memref<16x128xf32, #tpu.memory_space<hbm>>
        %dma_wait3A_53 = arith.constant 9984 : i32
        %dma_wait3A_54 = arith.constant 0 : i32
        %dma_wait3A_55 = tpu.memref_slice %arg11[%dma_wait3A_53, %dma_wait3A_54] : memref<10000x128xf32, #tpu.memory_space<vmem_shared>> -> memref<16x128xf32, #tpu.memory_space<vmem_shared>>
        tpu.wait_dma2 semaphore(%run_scoped3A : memref<!tpu.dma_semaphore, #tpu.memory_space<semaphore_mem>>) src(%dma_wait3A_55 : memref<16x128xf32, #tpu.memory_space<vmem_shared>>) dst(%dma_wait3A_52 : memref<16x128xf32, #tpu.memory_space<hbm>>)
        tpu.yield
      }) : () -> ()
    } else {
    }
    return
  }
}

#map = affine_map<(d0, d1) -> (0, 0)>
#map1 = affine_map<(d0, d1) -> (0, 0, 0)>
module attributes {stable_mosaic.version = 14 : i64} {
  func.func @body(%arg0: i32, %arg1: i32, %arg2: memref<10000x128xf32, #tpu.memory_space<hbm>>, %arg3: memref<32x40x125xi32, #tpu.memory_space<hbm>>, %arg4: memref<32x40x125xi32, #tpu.memory_space<hbm>>, %arg5: memref<10000x128xf32, #tpu.memory_space<hbm>>, %arg6: memref<2x10000x128xf32, #tpu.memory_space<hbm>>, %arg7: memref<40x125xi32, #tpu.memory_space<vmem>>, %arg8: memref<40x125xi32, #tpu.memory_space<vmem>>, %arg9: memref<125x128xf32, #tpu.memory_space<vmem>>, %arg10: memref<125x128xf32, #tpu.memory_space<vmem>>, %arg11: memref<10000x128xf32, #tpu.memory_space<vmem_shared>>, %arg12: memref<!tpu.dma_semaphore, #tpu.memory_space<semaphore_mem>>, %arg13: memref<!tpu.dma_semaphore, #tpu.memory_space<semaphore_mem>>, %arg14: memref<!tpu.dma_semaphore, #tpu.memory_space<semaphore_mem>>, %arg15: memref<!tpu.dma_semaphore, #tpu.memory_space<semaphore_mem>>) attributes {dimension_semantics = [#tpu.dimension_semantics<core_parallel>, #tpu.dimension_semantics<subcore_parallel>], iteration_bounds = array<i64: 2, 16>, scalar_prefetch = 0 : i64, scratch_operands = 9 : i64, tpu.core_type = #tpu.core_type<sc_vector_subcore>, window_params = [{transform_indices = #map}, {transform_indices = #map1}, {transform_indices = #map1}, {transform_indices = #map}, {transform_indices = #map1}]} {
    %mul3A = arith.constant 2 : i32
    %mul3A_0 = arith.muli %arg1, %mul3A : i32
    %add3A = arith.addi %mul3A_0, %arg0 : i32
    %mul3A_1 = arith.constant 624 : i32
    %mul3A_2 = arith.muli %arg1, %mul3A_1 : i32
    "tpu.region"() ({
      %run_scoped3A = tpu.sem_alloc : memref<!tpu.dma_semaphore, #tpu.memory_space<semaphore_mem>>
      %dma_start3A_42 = arith.constant 0 : i32
      %dma_start3A_43 = tpu.memref_slice %arg11[%mul3A_2, %dma_start3A_42] : memref<10000x128xf32, #tpu.memory_space<vmem_shared>> -> memref<624x128xf32, #tpu.memory_space<vmem_shared>>
      %dma_start3A_44 = arith.constant 0 : i32
      %dma_start3A_45 = tpu.memref_slice %arg5[%mul3A_2, %dma_start3A_44] : memref<10000x128xf32, #tpu.memory_space<hbm>> -> memref<624x128xf32, #tpu.memory_space<hbm>>
      tpu.enqueue_dma source(%dma_start3A_45 : memref<624x128xf32, #tpu.memory_space<hbm>>) target(%dma_start3A_43 : memref<624x128xf32, #tpu.memory_space<vmem_shared>>) target_semaphore(%run_scoped3A : memref<!tpu.dma_semaphore, #tpu.memory_space<semaphore_mem>>)
      %dma_wait3A_46 = arith.constant 0 : i32
      %dma_wait3A_47 = tpu.memref_slice %arg11[%mul3A_2, %dma_wait3A_46] : memref<10000x128xf32, #tpu.memory_space<vmem_shared>> -> memref<624x128xf32, #tpu.memory_space<vmem_shared>>
      %dma_wait3A_48 = arith.constant 0 : i32
      %dma_wait3A_49 = tpu.memref_slice %arg5[%mul3A_2, %dma_wait3A_48] : memref<10000x128xf32, #tpu.memory_space<hbm>> -> memref<624x128xf32, #tpu.memory_space<hbm>>
      tpu.wait_dma2 semaphore(%run_scoped3A : memref<!tpu.dma_semaphore, #tpu.memory_space<semaphore_mem>>) src(%dma_wait3A_49 : memref<624x128xf32, #tpu.memory_space<hbm>>) dst(%dma_wait3A_47 : memref<624x128xf32, #tpu.memory_space<vmem_shared>>)
      tpu.yield
    }) : () -> ()
    %eq3A = arith.constant 15 : i32
    %eq3A_3 = arith.cmpi eq, %arg1, %eq3A : i32
    %convert_element_type3A = arith.extui %eq3A_3 : i1 to i32
    %cond3A = arith.constant 0 : i32
    %cond3A_4 = arith.cmpi ne, %convert_element_type3A, %cond3A : i32
    scf.if %cond3A_4 {
      "tpu.region"() ({
        %run_scoped3A = tpu.sem_alloc : memref<!tpu.dma_semaphore, #tpu.memory_space<semaphore_mem>>
        %dma_start3A_42 = arith.constant 9984 : i32
        %dma_start3A_43 = arith.constant 0 : i32
        %dma_start3A_44 = tpu.memref_slice %arg11[%dma_start3A_42, %dma_start3A_43] : memref<10000x128xf32, #tpu.memory_space<vmem_shared>> -> memref<16x128xf32, #tpu.memory_space<vmem_shared>>
        %dma_start3A_45 = arith.constant 9984 : i32
        %dma_start3A_46 = arith.constant 0 : i32
        %dma_start3A_47 = tpu.memref_slice %arg5[%dma_start3A_45, %dma_start3A_46] : memref<10000x128xf32, #tpu.memory_space<hbm>> -> memref<16x128xf32, #tpu.memory_space<hbm>>
        tpu.enqueue_dma source(%dma_start3A_47 : memref<16x128xf32, #tpu.memory_space<hbm>>) target(%dma_start3A_44 : memref<16x128xf32, #tpu.memory_space<vmem_shared>>) target_semaphore(%run_scoped3A : memref<!tpu.dma_semaphore, #tpu.memory_space<semaphore_mem>>)
        %dma_wait3A_48 = arith.constant 9984 : i32
        %dma_wait3A_49 = arith.constant 0 : i32
        %dma_wait3A_50 = tpu.memref_slice %arg11[%dma_wait3A_48, %dma_wait3A_49] : memref<10000x128xf32, #tpu.memory_space<vmem_shared>> -> memref<16x128xf32, #tpu.memory_space<vmem_shared>>
        %dma_wait3A_51 = arith.constant 9984 : i32
        %dma_wait3A_52 = arith.constant 0 : i32
        %dma_wait3A_53 = tpu.memref_slice %arg5[%dma_wait3A_51, %dma_wait3A_52] : memref<10000x128xf32, #tpu.memory_space<hbm>> -> memref<16x128xf32, #tpu.memory_space<hbm>>
        tpu.wait_dma2 semaphore(%run_scoped3A : memref<!tpu.dma_semaphore, #tpu.memory_space<semaphore_mem>>) src(%dma_wait3A_53 : memref<16x128xf32, #tpu.memory_space<hbm>>) dst(%dma_wait3A_50 : memref<16x128xf32, #tpu.memory_space<vmem_shared>>)
        tpu.yield
      }) : () -> ()
    } else {
    }
    "tpu.region"() ({
      %run_scoped3A = tpu.sem_alloc : memref<!tpu.dma_semaphore, #tpu.memory_space<semaphore_mem>>
      %dma_start3A_42 = arith.constant 0 : i32
      %dma_start3A_43 = arith.constant 0 : i32
      %dma_start3A_44 = tpu.memref_slice %arg3[%add3A, %dma_start3A_42, %dma_start3A_43] : memref<32x40x125xi32, #tpu.memory_space<hbm>> -> memref<1x40x125xi32, #tpu.memory_space<hbm>>
      %dma_start3A_45 = tpu.memref_squeeze %dma_start3A_44 : memref<1x40x125xi32, #tpu.memory_space<hbm>> -> memref<40x125xi32, #tpu.memory_space<hbm>>
      %dma_start3A_46 = arith.constant 0 : i32
      %dma_start3A_47 = arith.constant 0 : i32
      %dma_start3A_48 = tpu.memref_slice %arg3[%add3A, %dma_start3A_46, %dma_start3A_47] : memref<32x40x125xi32, #tpu.memory_space<hbm>> -> memref<1x40x125xi32, #tpu.memory_space<hbm>>
      %dma_start3A_49 = tpu.memref_squeeze %dma_start3A_48 : memref<1x40x125xi32, #tpu.memory_space<hbm>> -> memref<40x125xi32, #tpu.memory_space<hbm>>
      tpu.enqueue_dma source(%dma_start3A_49 : memref<40x125xi32, #tpu.memory_space<hbm>>) target(%arg7 : memref<40x125xi32, #tpu.memory_space<vmem>>) target_semaphore(%run_scoped3A : memref<!tpu.dma_semaphore, #tpu.memory_space<semaphore_mem>>)
      %dma_wait3A_50 = arith.constant 0 : i32
      %dma_wait3A_51 = arith.constant 0 : i32
      %dma_wait3A_52 = tpu.memref_slice %arg3[%add3A, %dma_wait3A_50, %dma_wait3A_51] : memref<32x40x125xi32, #tpu.memory_space<hbm>> -> memref<1x40x125xi32, #tpu.memory_space<hbm>>
      %dma_wait3A_53 = tpu.memref_squeeze %dma_wait3A_52 : memref<1x40x125xi32, #tpu.memory_space<hbm>> -> memref<40x125xi32, #tpu.memory_space<hbm>>
      %dma_wait3A_54 = arith.constant 0 : i32
      %dma_wait3A_55 = arith.constant 0 : i32
      %dma_wait3A_56 = tpu.memref_slice %arg3[%add3A, %dma_wait3A_54, %dma_wait3A_55] : memref<32x40x125xi32, #tpu.memory_space<hbm>> -> memref<1x40x125xi32, #tpu.memory_space<hbm>>
      %dma_wait3A_57 = tpu.memref_squeeze %dma_wait3A_56 : memref<1x40x125xi32, #tpu.memory_space<hbm>> -> memref<40x125xi32, #tpu.memory_space<hbm>>
      tpu.wait_dma2 semaphore(%run_scoped3A : memref<!tpu.dma_semaphore, #tpu.memory_space<semaphore_mem>>) src(%dma_wait3A_57 : memref<40x125xi32, #tpu.memory_space<hbm>>) dst(%arg7 : memref<40x125xi32, #tpu.memory_space<vmem>>)
      tpu.yield
    }) : () -> ()
    "tpu.region"() ({
      %run_scoped3A = tpu.sem_alloc : memref<!tpu.dma_semaphore, #tpu.memory_space<semaphore_mem>>
      %dma_start3A_42 = arith.constant 0 : i32
      %dma_start3A_43 = arith.constant 0 : i32
      %dma_start3A_44 = tpu.memref_slice %arg4[%add3A, %dma_start3A_42, %dma_start3A_43] : memref<32x40x125xi32, #tpu.memory_space<hbm>> -> memref<1x40x125xi32, #tpu.memory_space<hbm>>
      %dma_start3A_45 = tpu.memref_squeeze %dma_start3A_44 : memref<1x40x125xi32, #tpu.memory_space<hbm>> -> memref<40x125xi32, #tpu.memory_space<hbm>>
      %dma_start3A_46 = arith.constant 0 : i32
      %dma_start3A_47 = arith.constant 0 : i32
      %dma_start3A_48 = tpu.memref_slice %arg4[%add3A, %dma_start3A_46, %dma_start3A_47] : memref<32x40x125xi32, #tpu.memory_space<hbm>> -> memref<1x40x125xi32, #tpu.memory_space<hbm>>
      %dma_start3A_49 = tpu.memref_squeeze %dma_start3A_48 : memref<1x40x125xi32, #tpu.memory_space<hbm>> -> memref<40x125xi32, #tpu.memory_space<hbm>>
      tpu.enqueue_dma source(%dma_start3A_49 : memref<40x125xi32, #tpu.memory_space<hbm>>) target(%arg8 : memref<40x125xi32, #tpu.memory_space<vmem>>) target_semaphore(%run_scoped3A : memref<!tpu.dma_semaphore, #tpu.memory_space<semaphore_mem>>)
      %dma_wait3A_50 = arith.constant 0 : i32
      %dma_wait3A_51 = arith.constant 0 : i32
      %dma_wait3A_52 = tpu.memref_slice %arg4[%add3A, %dma_wait3A_50, %dma_wait3A_51] : memref<32x40x125xi32, #tpu.memory_space<hbm>> -> memref<1x40x125xi32, #tpu.memory_space<hbm>>
      %dma_wait3A_53 = tpu.memref_squeeze %dma_wait3A_52 : memref<1x40x125xi32, #tpu.memory_space<hbm>> -> memref<40x125xi32, #tpu.memory_space<hbm>>
      %dma_wait3A_54 = arith.constant 0 : i32
      %dma_wait3A_55 = arith.constant 0 : i32
      %dma_wait3A_56 = tpu.memref_slice %arg4[%add3A, %dma_wait3A_54, %dma_wait3A_55] : memref<32x40x125xi32, #tpu.memory_space<hbm>> -> memref<1x40x125xi32, #tpu.memory_space<hbm>>
      %dma_wait3A_57 = tpu.memref_squeeze %dma_wait3A_56 : memref<1x40x125xi32, #tpu.memory_space<hbm>> -> memref<40x125xi32, #tpu.memory_space<hbm>>
      tpu.wait_dma2 semaphore(%run_scoped3A : memref<!tpu.dma_semaphore, #tpu.memory_space<semaphore_mem>>) src(%dma_wait3A_57 : memref<40x125xi32, #tpu.memory_space<hbm>>) dst(%arg8 : memref<40x125xi32, #tpu.memory_space<vmem>>)
      tpu.yield
    }) : () -> ()
    %barrier3A = arith.constant 0 : index
    tpu.barrier barrier_id(%barrier3A)
    %dma_start3A = arith.constant 0 : i32
    %dma_start3A_5 = arith.constant 0 : i32
    %dma_start3A_6 = tpu.memref_slice %arg7[%dma_start3A, %dma_start3A_5] : memref<40x125xi32, #tpu.memory_space<vmem>> -> memref<1x125xi32, #tpu.memory_space<vmem>>
    %dma_start3A_7 = tpu.memref_squeeze %dma_start3A_6 : memref<1x125xi32, #tpu.memory_space<vmem>> -> memref<125xi32, #tpu.memory_space<vmem>>
    %dma_start3A_8 = arith.constant 0 : i32
    %dma_start3A_9 = arith.constant 0 : i32
    %dma_start3A_10 = tpu.memref_slice %arg2[%dma_start3A_8, %dma_start3A_9] : memref<10000x128xf32, #tpu.memory_space<hbm>> -> memref<10000x128xf32, #tpu.memory_space<hbm>>
    tpu.enqueue_indirect_dma source(%dma_start3A_10 : memref<10000x128xf32, #tpu.memory_space<hbm>>) target(%arg9 : memref<125x128xf32, #tpu.memory_space<vmem>>) offsets(%dma_start3A_7 : memref<125xi32, #tpu.memory_space<vmem>>) semaphore(%arg12 : memref<!tpu.dma_semaphore, #tpu.memory_space<semaphore_mem>>)
    %dma_start3A_11 = arith.constant 1 : i32
    %dma_start3A_12 = arith.constant 0 : i32
    %dma_start3A_13 = tpu.memref_slice %arg7[%dma_start3A_11, %dma_start3A_12] : memref<40x125xi32, #tpu.memory_space<vmem>> -> memref<1x125xi32, #tpu.memory_space<vmem>>
    %dma_start3A_14 = tpu.memref_squeeze %dma_start3A_13 : memref<1x125xi32, #tpu.memory_space<vmem>> -> memref<125xi32, #tpu.memory_space<vmem>>
    %dma_start3A_15 = arith.constant 0 : i32
    %dma_start3A_16 = arith.constant 0 : i32
    %dma_start3A_17 = tpu.memref_slice %arg2[%dma_start3A_15, %dma_start3A_16] : memref<10000x128xf32, #tpu.memory_space<hbm>> -> memref<10000x128xf32, #tpu.memory_space<hbm>>
    tpu.enqueue_indirect_dma source(%dma_start3A_17 : memref<10000x128xf32, #tpu.memory_space<hbm>>) target(%arg10 : memref<125x128xf32, #tpu.memory_space<vmem>>) offsets(%dma_start3A_14 : memref<125xi32, #tpu.memory_space<vmem>>) semaphore(%arg13 : memref<!tpu.dma_semaphore, #tpu.memory_space<semaphore_mem>>)
    %scan3A = arith.constant 0 : i32
    %scan3A_18 = arith.constant 0 : i32
    %scan3A_19 = arith.constant 20 : i32
    %scan3A_20 = arith.addi %scan3A_18, %scan3A_19 : i32
    %scan3A_21 = arith.constant 1 : i32
    scf.for %scan3A_42 = %scan3A_18 to %scan3A_20 step %scan3A_21  : i32 {
      %mul3A_43 = arith.constant 2 : i32
      %mul3A_44 = arith.muli %mul3A_43, %scan3A_42 : i32
      %add3A_45 = arith.constant 0 : i32
      %add3A_46 = arith.addi %mul3A_44, %add3A_45 : i32
      %dma_wait3A_47 = arith.constant 0 : i32
      %dma_wait3A_48 = tpu.memref_slice %arg7[%add3A_46, %dma_wait3A_47] : memref<40x125xi32, #tpu.memory_space<vmem>> -> memref<1x125xi32, #tpu.memory_space<vmem>>
      %dma_wait3A_49 = tpu.memref_squeeze %dma_wait3A_48 : memref<1x125xi32, #tpu.memory_space<vmem>> -> memref<125xi32, #tpu.memory_space<vmem>>
      %dma_wait3A_50 = arith.constant 0 : i32
      %dma_wait3A_51 = arith.constant 0 : i32
      %dma_wait3A_52 = tpu.memref_slice %arg2[%dma_wait3A_50, %dma_wait3A_51] : memref<10000x128xf32, #tpu.memory_space<hbm>> -> memref<10000x128xf32, #tpu.memory_space<hbm>>
      tpu.wait_indirect_dma semaphore(%arg12 : memref<!tpu.dma_semaphore, #tpu.memory_space<semaphore_mem>>) src(%dma_wait3A_52 : memref<10000x128xf32, #tpu.memory_space<hbm>>) dst(%arg9 : memref<125x128xf32, #tpu.memory_space<vmem>>)
      %add3A_53 = arith.constant 0 : i32
      %add3A_54 = arith.addi %mul3A_44, %add3A_53 : i32
      %dma_start3A_55 = arith.constant 0 : i32
      %dma_start3A_56 = tpu.memref_slice %arg8[%add3A_54, %dma_start3A_55] : memref<40x125xi32, #tpu.memory_space<vmem>> -> memref<1x125xi32, #tpu.memory_space<vmem>>
      %dma_start3A_57 = tpu.memref_squeeze %dma_start3A_56 : memref<1x125xi32, #tpu.memory_space<vmem>> -> memref<125xi32, #tpu.memory_space<vmem>>
      %dma_start3A_58 = arith.constant 0 : i32
      %dma_start3A_59 = arith.constant 0 : i32
      %dma_start3A_60 = tpu.memref_slice %arg11[%dma_start3A_58, %dma_start3A_59] : memref<10000x128xf32, #tpu.memory_space<vmem_shared>> -> memref<10000x128xf32, #tpu.memory_space<vmem_shared>>
      tpu.enqueue_indirect_dma source(%arg9 : memref<125x128xf32, #tpu.memory_space<vmem>>) target(%dma_start3A_60 : memref<10000x128xf32, #tpu.memory_space<vmem_shared>>) offsets(%dma_start3A_57 : memref<125xi32, #tpu.memory_space<vmem>>) semaphore(%arg14 : memref<!tpu.dma_semaphore, #tpu.memory_space<semaphore_mem>>) {add = true}
      %add3A_61 = arith.constant 1 : i32
      %add3A_62 = arith.addi %mul3A_44, %add3A_61 : i32
      %dma_wait3A_63 = arith.constant 0 : i32
      %dma_wait3A_64 = tpu.memref_slice %arg7[%add3A_62, %dma_wait3A_63] : memref<40x125xi32, #tpu.memory_space<vmem>> -> memref<1x125xi32, #tpu.memory_space<vmem>>
      %dma_wait3A_65 = tpu.memref_squeeze %dma_wait3A_64 : memref<1x125xi32, #tpu.memory_space<vmem>> -> memref<125xi32, #tpu.memory_space<vmem>>
      %dma_wait3A_66 = arith.constant 0 : i32
      %dma_wait3A_67 = arith.constant 0 : i32
      %dma_wait3A_68 = tpu.memref_slice %arg2[%dma_wait3A_66, %dma_wait3A_67] : memref<10000x128xf32, #tpu.memory_space<hbm>> -> memref<10000x128xf32, #tpu.memory_space<hbm>>
      tpu.wait_indirect_dma semaphore(%arg13 : memref<!tpu.dma_semaphore, #tpu.memory_space<semaphore_mem>>) src(%dma_wait3A_68 : memref<10000x128xf32, #tpu.memory_space<hbm>>) dst(%arg10 : memref<125x128xf32, #tpu.memory_space<vmem>>)
      %add3A_69 = arith.constant 1 : i32
      %add3A_70 = arith.addi %mul3A_44, %add3A_69 : i32
      %dma_start3A_71 = arith.constant 0 : i32
      %dma_start3A_72 = tpu.memref_slice %arg8[%add3A_70, %dma_start3A_71] : memref<40x125xi32, #tpu.memory_space<vmem>> -> memref<1x125xi32, #tpu.memory_space<vmem>>
      %dma_start3A_73 = tpu.memref_squeeze %dma_start3A_72 : memref<1x125xi32, #tpu.memory_space<vmem>> -> memref<125xi32, #tpu.memory_space<vmem>>
      %dma_start3A_74 = arith.constant 0 : i32
      %dma_start3A_75 = arith.constant 0 : i32
      %dma_start3A_76 = tpu.memref_slice %arg11[%dma_start3A_74, %dma_start3A_75] : memref<10000x128xf32, #tpu.memory_space<vmem_shared>> -> memref<10000x128xf32, #tpu.memory_space<vmem_shared>>
      tpu.enqueue_indirect_dma source(%arg10 : memref<125x128xf32, #tpu.memory_space<vmem>>) target(%dma_start3A_76 : memref<10000x128xf32, #tpu.memory_space<vmem_shared>>) offsets(%dma_start3A_73 : memref<125xi32, #tpu.memory_space<vmem>>) semaphore(%arg15 : memref<!tpu.dma_semaphore, #tpu.memory_space<semaphore_mem>>) {add = true}
      %lt3A = arith.constant 19 : i32
      %lt3A_77 = arith.cmpi slt, %scan3A_42, %lt3A : i32
      %convert_element_type3A_78 = arith.extui %lt3A_77 : i1 to i32
      %cond3A_79 = arith.constant 0 : i32
      %cond3A_80 = arith.cmpi ne, %convert_element_type3A_78, %cond3A_79 : i32
      scf.if %cond3A_80 {
        %add3A_81 = arith.constant 0 : i32
        %add3A_82 = arith.addi %mul3A_44, %add3A_81 : i32
        %dma_wait3A_83 = arith.constant 0 : i32
        %dma_wait3A_84 = tpu.memref_slice %arg8[%add3A_82, %dma_wait3A_83] : memref<40x125xi32, #tpu.memory_space<vmem>> -> memref<1x125xi32, #tpu.memory_space<vmem>>
        %dma_wait3A_85 = tpu.memref_squeeze %dma_wait3A_84 : memref<1x125xi32, #tpu.memory_space<vmem>> -> memref<125xi32, #tpu.memory_space<vmem>>
        %dma_wait3A_86 = arith.constant 0 : i32
        %dma_wait3A_87 = arith.constant 0 : i32
        %dma_wait3A_88 = tpu.memref_slice %arg11[%dma_wait3A_86, %dma_wait3A_87] : memref<10000x128xf32, #tpu.memory_space<vmem_shared>> -> memref<10000x128xf32, #tpu.memory_space<vmem_shared>>
        tpu.wait_indirect_dma semaphore(%arg14 : memref<!tpu.dma_semaphore, #tpu.memory_space<semaphore_mem>>) src(%arg9 : memref<125x128xf32, #tpu.memory_space<vmem>>) dst(%dma_wait3A_88 : memref<10000x128xf32, #tpu.memory_space<vmem_shared>>)
        %add3A_89 = arith.constant 2 : i32
        %add3A_90 = arith.addi %mul3A_44, %add3A_89 : i32
        %add3A_91 = arith.constant 0 : i32
        %add3A_92 = arith.addi %add3A_90, %add3A_91 : i32
        %dma_start3A_93 = arith.constant 0 : i32
        %dma_start3A_94 = tpu.memref_slice %arg7[%add3A_92, %dma_start3A_93] : memref<40x125xi32, #tpu.memory_space<vmem>> -> memref<1x125xi32, #tpu.memory_space<vmem>>
        %dma_start3A_95 = tpu.memref_squeeze %dma_start3A_94 : memref<1x125xi32, #tpu.memory_space<vmem>> -> memref<125xi32, #tpu.memory_space<vmem>>
        %dma_start3A_96 = arith.constant 0 : i32
        %dma_start3A_97 = arith.constant 0 : i32
        %dma_start3A_98 = tpu.memref_slice %arg2[%dma_start3A_96, %dma_start3A_97] : memref<10000x128xf32, #tpu.memory_space<hbm>> -> memref<10000x128xf32, #tpu.memory_space<hbm>>
        tpu.enqueue_indirect_dma source(%dma_start3A_98 : memref<10000x128xf32, #tpu.memory_space<hbm>>) target(%arg9 : memref<125x128xf32, #tpu.memory_space<vmem>>) offsets(%dma_start3A_95 : memref<125xi32, #tpu.memory_space<vmem>>) semaphore(%arg12 : memref<!tpu.dma_semaphore, #tpu.memory_space<semaphore_mem>>)
        %add3A_99 = arith.constant 1 : i32
        %add3A_100 = arith.addi %mul3A_44, %add3A_99 : i32
        %dma_wait3A_101 = arith.constant 0 : i32
        %dma_wait3A_102 = tpu.memref_slice %arg8[%add3A_100, %dma_wait3A_101] : memref<40x125xi32, #tpu.memory_space<vmem>> -> memref<1x125xi32, #tpu.memory_space<vmem>>
        %dma_wait3A_103 = tpu.memref_squeeze %dma_wait3A_102 : memref<1x125xi32, #tpu.memory_space<vmem>> -> memref<125xi32, #tpu.memory_space<vmem>>
        %dma_wait3A_104 = arith.constant 0 : i32
        %dma_wait3A_105 = arith.constant 0 : i32
        %dma_wait3A_106 = tpu.memref_slice %arg11[%dma_wait3A_104, %dma_wait3A_105] : memref<10000x128xf32, #tpu.memory_space<vmem_shared>> -> memref<10000x128xf32, #tpu.memory_space<vmem_shared>>
        tpu.wait_indirect_dma semaphore(%arg15 : memref<!tpu.dma_semaphore, #tpu.memory_space<semaphore_mem>>) src(%arg10 : memref<125x128xf32, #tpu.memory_space<vmem>>) dst(%dma_wait3A_106 : memref<10000x128xf32, #tpu.memory_space<vmem_shared>>)
        %add3A_107 = arith.constant 2 : i32
        %add3A_108 = arith.addi %mul3A_44, %add3A_107 : i32
        %add3A_109 = arith.constant 1 : i32
        %add3A_110 = arith.addi %add3A_108, %add3A_109 : i32
        %dma_start3A_111 = arith.constant 0 : i32
        %dma_start3A_112 = tpu.memref_slice %arg7[%add3A_110, %dma_start3A_111] : memref<40x125xi32, #tpu.memory_space<vmem>> -> memref<1x125xi32, #tpu.memory_space<vmem>>
        %dma_start3A_113 = tpu.memref_squeeze %dma_start3A_112 : memref<1x125xi32, #tpu.memory_space<vmem>> -> memref<125xi32, #tpu.memory_space<vmem>>
        %dma_start3A_114 = arith.constant 0 : i32
        %dma_start3A_115 = arith.constant 0 : i32
        %dma_start3A_116 = tpu.memref_slice %arg2[%dma_start3A_114, %dma_start3A_115] : memref<10000x128xf32, #tpu.memory_space<hbm>> -> memref<10000x128xf32, #tpu.memory_space<hbm>>
        tpu.enqueue_indirect_dma source(%dma_start3A_116 : memref<10000x128xf32, #tpu.memory_space<hbm>>) target(%arg10 : memref<125x128xf32, #tpu.memory_space<vmem>>) offsets(%dma_start3A_113 : memref<125xi32, #tpu.memory_space<vmem>>) semaphore(%arg13 : memref<!tpu.dma_semaphore, #tpu.memory_space<semaphore_mem>>)
      } else {
      }
    }
    %scan3A_22 = arith.constant 20 : i32
    %dma_wait3A = arith.constant 38 : i32
    %dma_wait3A_23 = arith.constant 0 : i32
    %dma_wait3A_24 = tpu.memref_slice %arg8[%dma_wait3A, %dma_wait3A_23] : memref<40x125xi32, #tpu.memory_space<vmem>> -> memref<1x125xi32, #tpu.memory_space<vmem>>
    %dma_wait3A_25 = tpu.memref_squeeze %dma_wait3A_24 : memref<1x125xi32, #tpu.memory_space<vmem>> -> memref<125xi32, #tpu.memory_space<vmem>>
    %dma_wait3A_26 = arith.constant 0 : i32
    %dma_wait3A_27 = arith.constant 0 : i32
    %dma_wait3A_28 = tpu.memref_slice %arg11[%dma_wait3A_26, %dma_wait3A_27] : memref<10000x128xf32, #tpu.memory_space<vmem_shared>> -> memref<10000x128xf32, #tpu.memory_space<vmem_shared>>
    tpu.wait_indirect_dma semaphore(%arg14 : memref<!tpu.dma_semaphore, #tpu.memory_space<semaphore_mem>>) src(%arg9 : memref<125x128xf32, #tpu.memory_space<vmem>>) dst(%dma_wait3A_28 : memref<10000x128xf32, #tpu.memory_space<vmem_shared>>)
    %dma_wait3A_29 = arith.constant 39 : i32
    %dma_wait3A_30 = arith.constant 0 : i32
    %dma_wait3A_31 = tpu.memref_slice %arg8[%dma_wait3A_29, %dma_wait3A_30] : memref<40x125xi32, #tpu.memory_space<vmem>> -> memref<1x125xi32, #tpu.memory_space<vmem>>
    %dma_wait3A_32 = tpu.memref_squeeze %dma_wait3A_31 : memref<1x125xi32, #tpu.memory_space<vmem>> -> memref<125xi32, #tpu.memory_space<vmem>>
    %dma_wait3A_33 = arith.constant 0 : i32
    %dma_wait3A_34 = arith.constant 0 : i32
    %dma_wait3A_35 = tpu.memref_slice %arg11[%dma_wait3A_33, %dma_wait3A_34] : memref<10000x128xf32, #tpu.memory_space<vmem_shared>> -> memref<10000x128xf32, #tpu.memory_space<vmem_shared>>
    tpu.wait_indirect_dma semaphore(%arg15 : memref<!tpu.dma_semaphore, #tpu.memory_space<semaphore_mem>>) src(%arg10 : memref<125x128xf32, #tpu.memory_space<vmem>>) dst(%dma_wait3A_35 : memref<10000x128xf32, #tpu.memory_space<vmem_shared>>)
    %barrier3A_36 = arith.constant 0 : index
    tpu.barrier barrier_id(%barrier3A_36)
    "tpu.region"() ({
      %run_scoped3A = tpu.sem_alloc : memref<!tpu.dma_semaphore, #tpu.memory_space<semaphore_mem>>
      %dma_start3A_42 = arith.constant 0 : i32
      %dma_start3A_43 = tpu.memref_slice %arg6[%arg0, %mul3A_2, %dma_start3A_42] : memref<2x10000x128xf32, #tpu.memory_space<hbm>> -> memref<1x624x128xf32, #tpu.memory_space<hbm>>
      %dma_start3A_44 = tpu.memref_squeeze %dma_start3A_43 : memref<1x624x128xf32, #tpu.memory_space<hbm>> -> memref<624x128xf32, #tpu.memory_space<hbm>>
      %dma_start3A_45 = arith.constant 0 : i32
      %dma_start3A_46 = tpu.memref_slice %arg11[%mul3A_2, %dma_start3A_45] : memref<10000x128xf32, #tpu.memory_space<vmem_shared>> -> memref<624x128xf32, #tpu.memory_space<vmem_shared>>
      tpu.enqueue_dma source(%dma_start3A_46 : memref<624x128xf32, #tpu.memory_space<vmem_shared>>) target(%dma_start3A_44 : memref<624x128xf32, #tpu.memory_space<hbm>>) target_semaphore(%run_scoped3A : memref<!tpu.dma_semaphore, #tpu.memory_space<semaphore_mem>>)
      %dma_wait3A_47 = arith.constant 0 : i32
      %dma_wait3A_48 = tpu.memref_slice %arg6[%arg0, %mul3A_2, %dma_wait3A_47] : memref<2x10000x128xf32, #tpu.memory_space<hbm>> -> memref<1x624x128xf32, #tpu.memory_space<hbm>>
      %dma_wait3A_49 = tpu.memref_squeeze %dma_wait3A_48 : memref<1x624x128xf32, #tpu.memory_space<hbm>> -> memref<624x128xf32, #tpu.memory_space<hbm>>
      %dma_wait3A_50 = arith.constant 0 : i32
      %dma_wait3A_51 = tpu.memref_slice %arg11[%mul3A_2, %dma_wait3A_50] : memref<10000x128xf32, #tpu.memory_space<vmem_shared>> -> memref<624x128xf32, #tpu.memory_space<vmem_shared>>
      tpu.wait_dma2 semaphore(%run_scoped3A : memref<!tpu.dma_semaphore, #tpu.memory_space<semaphore_mem>>) src(%dma_wait3A_51 : memref<624x128xf32, #tpu.memory_space<vmem_shared>>) dst(%dma_wait3A_49 : memref<624x128xf32, #tpu.memory_space<hbm>>)
      tpu.yield
    }) : () -> ()
    %eq3A_37 = arith.constant 15 : i32
    %eq3A_38 = arith.cmpi eq, %arg1, %eq3A_37 : i32
    %convert_element_type3A_39 = arith.extui %eq3A_38 : i1 to i32
    %cond3A_40 = arith.constant 0 : i32
    %cond3A_41 = arith.cmpi ne, %convert_element_type3A_39, %cond3A_40 : i32
    scf.if %cond3A_41 {
      "tpu.region"() ({
        %run_scoped3A = tpu.sem_alloc : memref<!tpu.dma_semaphore, #tpu.memory_space<semaphore_mem>>
        %dma_start3A_42 = arith.constant 9984 : i32
        %dma_start3A_43 = arith.constant 0 : i32
        %dma_start3A_44 = tpu.memref_slice %arg6[%arg0, %dma_start3A_42, %dma_start3A_43] : memref<2x10000x128xf32, #tpu.memory_space<hbm>> -> memref<1x16x128xf32, #tpu.memory_space<hbm>>
        %dma_start3A_45 = tpu.memref_squeeze %dma_start3A_44 : memref<1x16x128xf32, #tpu.memory_space<hbm>> -> memref<16x128xf32, #tpu.memory_space<hbm>>
        %dma_start3A_46 = arith.constant 9984 : i32
        %dma_start3A_47 = arith.constant 0 : i32
        %dma_start3A_48 = tpu.memref_slice %arg11[%dma_start3A_46, %dma_start3A_47] : memref<10000x128xf32, #tpu.memory_space<vmem_shared>> -> memref<16x128xf32, #tpu.memory_space<vmem_shared>>
        tpu.enqueue_dma source(%dma_start3A_48 : memref<16x128xf32, #tpu.memory_space<vmem_shared>>) target(%dma_start3A_45 : memref<16x128xf32, #tpu.memory_space<hbm>>) target_semaphore(%run_scoped3A : memref<!tpu.dma_semaphore, #tpu.memory_space<semaphore_mem>>)
        %dma_wait3A_49 = arith.constant 9984 : i32
        %dma_wait3A_50 = arith.constant 0 : i32
        %dma_wait3A_51 = tpu.memref_slice %arg6[%arg0, %dma_wait3A_49, %dma_wait3A_50] : memref<2x10000x128xf32, #tpu.memory_space<hbm>> -> memref<1x16x128xf32, #tpu.memory_space<hbm>>
        %dma_wait3A_52 = tpu.memref_squeeze %dma_wait3A_51 : memref<1x16x128xf32, #tpu.memory_space<hbm>> -> memref<16x128xf32, #tpu.memory_space<hbm>>
        %dma_wait3A_53 = arith.constant 9984 : i32
        %dma_wait3A_54 = arith.constant 0 : i32
        %dma_wait3A_55 = tpu.memref_slice %arg11[%dma_wait3A_53, %dma_wait3A_54] : memref<10000x128xf32, #tpu.memory_space<vmem_shared>> -> memref<16x128xf32, #tpu.memory_space<vmem_shared>>
        tpu.wait_dma2 semaphore(%run_scoped3A : memref<!tpu.dma_semaphore, #tpu.memory_space<semaphore_mem>>) src(%dma_wait3A_55 : memref<16x128xf32, #tpu.memory_space<vmem_shared>>) dst(%dma_wait3A_52 : memref<16x128xf32, #tpu.memory_space<hbm>>)
        tpu.yield
      }) : () -> ()
    } else {
    }
    return
  }
}

module attributes {stable_mosaic.version = 14 : i64} {
  func.func @_tc1_body(%arg0: i32, %arg1: memref<1280x128xf32, #tpu.memory_space<vmem>>, %arg2: memref<2x1280x128xf32, #tpu.memory_space<vmem>>, %arg3: memref<32x80x128xf32, #tpu.memory_space<vmem>>, %arg4: memref<128x128xf32, #tpu.memory_space<vmem>>, %arg5: memref<128x128xf32, #tpu.memory_space<vmem>>, %arg6: memref<1x128xf32, #tpu.memory_space<vmem>>, %arg7: memref<1280x128xf32, #tpu.memory_space<vmem>>) attributes {dimension_semantics = [#tpu.dimension_semantics<arbitrary>], iteration_bounds = array<i64: 8>, scalar_prefetch = 0 : i64, scratch_operands = 0 : i64, tpu.core_type = #tpu.core_type<tc>, window_params = [{transform_indices = @transform_0, window_bounds = array<i64: 1280, 128>}, {transform_indices = @transform_1, window_bounds = array<i64: 2, 1280, 128>}, {pipeline_mode = #tpu.pipeline_mode<synchronous>, transform_indices = @transform_2, window_bounds = array<i64: 32, 80, 128>}, {pipeline_mode = #tpu.pipeline_mode<synchronous>, transform_indices = @transform_3, window_bounds = array<i64: 128, 128>}, {pipeline_mode = #tpu.pipeline_mode<synchronous>, transform_indices = @transform_4, window_bounds = array<i64: 128, 128>}, {pipeline_mode = #tpu.pipeline_mode<synchronous>, transform_indices = @transform_5, window_bounds = array<i64: 1, 128>}, {transform_indices = @transform_6, window_bounds = array<i64: 1280, 128>}]} {
    %get3A = arith.constant 0 : index
    %get3A_0 = arith.constant 0 : index
    %get3A_1 = arith.constant 0 : index
    %get3A_2 = vector.load %arg3[%get3A, %get3A_0, %get3A_1] : memref<32x80x128xf32, #tpu.memory_space<vmem>>, vector<32x80x128xf32>
    %reduce_sum3A = arith.constant dense<0.000000e+00> : vector<80x128xf32>
    %reduce_sum3A_3 = vector.multi_reduction <add>, %get3A_2, %reduce_sum3A [0] : vector<32x80x128xf32> to vector<80x128xf32>
    %iota3A = tpu.iota {dimensions = array<i32: 0>} : vector<1280x80xi32>
    %shift_right_arithmetic3A = arith.constant 7 : i32
    %shift_right_arithmetic3A_4 = vector.broadcast %shift_right_arithmetic3A : i32 to vector<1280x80xi32>
    %shift_right_arithmetic3A_5 = arith.shrsi %iota3A, %shift_right_arithmetic3A_4 : vector<1280x80xi32>
    %mul3A = arith.constant 10 : i32
    %mul3A_6 = arith.muli %mul3A, %arg0 : i32
    %add3A = vector.broadcast %mul3A_6 : i32 to vector<1280x80xi32>
    %add3A_7 = arith.addi %shift_right_arithmetic3A_5, %add3A : vector<1280x80xi32>
    %iota3A_8 = tpu.iota {dimensions = array<i32: 1>} : vector<1280x80xi32>
    %eq3A = arith.cmpi eq, %add3A_7, %iota3A_8 : vector<1280x80xi32>
    %convert_element_type3A = arith.extui %eq3A : vector<1280x80xi1> to vector<1280x80xi32>
    %convert_element_type3A_9 = arith.sitofp %convert_element_type3A : vector<1280x80xi32> to vector<1280x80xf32>
    %dot_general3A = arith.constant dense<0.000000e+00> : vector<1280x128xf32>
    %dot_general3A_10 = tpu.matmul %convert_element_type3A_9, %reduce_sum3A_3, %dot_general3A {dimension_numbers = #tpu.dot_dimension_numbers<[1], [0], [0], [1], [0, 0, 1, 1], [], []>, transpose_lhs_hint = false} : vector<1280x80xf32>, vector<80x128xf32>, vector<1280x128xf32> -> vector<1280x128xf32>
    %iota3A_11 = tpu.iota {dimensions = array<i32: 0>} : vector<1280x128xi32>
    %and3A = arith.constant 127 : i32
    %and3A_12 = vector.broadcast %and3A : i32 to vector<1280x128xi32>
    %and3A_13 = arith.andi %iota3A_11, %and3A_12 : vector<1280x128xi32>
    %iota3A_14 = tpu.iota {dimensions = array<i32: 1>} : vector<1280x128xi32>
    %eq3A_15 = arith.cmpi eq, %and3A_13, %iota3A_14 : vector<1280x128xi32>
    %convert_element_type3A_16 = arith.extui %eq3A_15 : vector<1280x128xi1> to vector<1280x128xi32>
    %convert_element_type3A_17 = arith.sitofp %convert_element_type3A_16 : vector<1280x128xi32> to vector<1280x128xf32>
    %mul3A_18 = arith.mulf %dot_general3A_10, %convert_element_type3A_17 : vector<1280x128xf32>
    %reduce_sum3A_19 = arith.constant dense<0.000000e+00> : vector<1280xf32>
    %reduce_sum3A_20 = vector.multi_reduction <add>, %mul3A_18, %reduce_sum3A_19 [1] : vector<1280x128xf32> to vector<1280xf32>
    %broadcast_in_dim3A = vector.shape_cast %reduce_sum3A_20 : vector<1280xf32> to vector<1280x1xf32>
    %max3A = arith.constant 1.000000e+00 : f32
    %max3A_21 = vector.broadcast %max3A : f32 to vector<1280x1xf32>
    %max3A_22 = arith.maximumf %broadcast_in_dim3A, %max3A_21 : vector<1280x1xf32>
    %get3A_23 = arith.constant 0 : index
    %get3A_24 = arith.constant 0 : index
    %get3A_25 = arith.constant 0 : index
    %get3A_26 = vector.load %arg2[%get3A_23, %get3A_24, %get3A_25] : memref<2x1280x128xf32, #tpu.memory_space<vmem>>, vector<1x1280x128xf32>
    %get3A_27 = vector.shape_cast %get3A_26 : vector<1x1280x128xf32> to vector<1280x128xf32>
    %get3A_28 = arith.constant 1 : index
    %get3A_29 = arith.constant 0 : index
    %get3A_30 = arith.constant 0 : index
    %get3A_31 = vector.load %arg2[%get3A_28, %get3A_29, %get3A_30] : memref<2x1280x128xf32, #tpu.memory_space<vmem>>, vector<1x1280x128xf32>
    %get3A_32 = vector.shape_cast %get3A_31 : vector<1x1280x128xf32> to vector<1280x128xf32>
    %add3A_33 = arith.addf %get3A_27, %get3A_32 : vector<1280x128xf32>
    %div3A = vector.broadcast %max3A_22 : vector<1280x1xf32> to vector<1280x128xf32>
    %div3A_34 = arith.divf %add3A_33, %div3A : vector<1280x128xf32>
    %get3A_35 = arith.constant 0 : index
    %get3A_36 = arith.constant 0 : index
    %get3A_37 = vector.load %arg4[%get3A_35, %get3A_36] : memref<128x128xf32, #tpu.memory_space<vmem>>, vector<128x128xf32>
    %dot_general3A_38 = arith.constant dense<0.000000e+00> : vector<1280x128xf32>
    %dot_general3A_39 = tpu.matmul %div3A_34, %get3A_37, %dot_general3A_38 {dimension_numbers = #tpu.dot_dimension_numbers<[1], [0], [0], [1], [0, 0, 1, 1], [], []>, transpose_lhs_hint = false} : vector<1280x128xf32>, vector<128x128xf32>, vector<1280x128xf32> -> vector<1280x128xf32>
    %get3A_40 = arith.constant 0 : index
    %get3A_41 = arith.constant 0 : index
    %get3A_42 = vector.load %arg1[%get3A_40, %get3A_41] : memref<1280x128xf32, #tpu.memory_space<vmem>>, vector<1280x128xf32>
    %get3A_43 = arith.constant 0 : index
    %get3A_44 = arith.constant 0 : index
    %get3A_45 = vector.load %arg5[%get3A_43, %get3A_44] : memref<128x128xf32, #tpu.memory_space<vmem>>, vector<128x128xf32>
    %dot_general3A_46 = arith.constant dense<0.000000e+00> : vector<1280x128xf32>
    %dot_general3A_47 = tpu.matmul %get3A_42, %get3A_45, %dot_general3A_46 {dimension_numbers = #tpu.dot_dimension_numbers<[1], [0], [0], [1], [0, 0, 1, 1], [], []>, transpose_lhs_hint = false} : vector<1280x128xf32>, vector<128x128xf32>, vector<1280x128xf32> -> vector<1280x128xf32>
    %add3A_48 = arith.addf %dot_general3A_39, %dot_general3A_47 : vector<1280x128xf32>
    %get3A_49 = arith.constant 0 : index
    %get3A_50 = arith.constant 0 : index
    %get3A_51 = vector.load %arg6[%get3A_49, %get3A_50] : memref<1x128xf32, #tpu.memory_space<vmem>>, vector<1x128xf32>
    %add3A_52 = vector.broadcast %get3A_51 : vector<1x128xf32> to vector<1280x128xf32>
    %add3A_53 = arith.addf %add3A_48, %add3A_52 : vector<1280x128xf32>
    %max3A_54 = arith.constant 0.000000e+00 : f32
    %max3A_55 = vector.broadcast %max3A_54 : f32 to vector<1280x128xf32>
    %max3A_56 = arith.maximumf %add3A_53, %max3A_55 : vector<1280x128xf32>
    %swap3A = arith.constant 0 : index
    %swap3A_57 = arith.constant 0 : index
    %swap3A_58 = vector.load %arg7[%swap3A, %swap3A_57] : memref<1280x128xf32, #tpu.memory_space<vmem>>, vector<1280x128xf32>
    tpu.vector_store %arg7[%swap3A, %swap3A_57], %max3A_56 {strides = array<i32>} : memref<1280x128xf32, #tpu.memory_space<vmem>>, vector<1280x128xf32>,
    return
  }
  func.func @transform_0(%arg0: i32) -> (i32, i32) {
    %c0_i32 = arith.constant 0 : i32
    %c0_i32_0 = arith.constant 0 : i32
    return %arg0, %c0_i32 : i32, i32
  }
  func.func @transform_1(%arg0: i32) -> (i32, i32, i32) {
    %c0_i32 = arith.constant 0 : i32
    %c0_i32_0 = arith.constant 0 : i32
    %c0_i32_1 = arith.constant 0 : i32
    return %c0_i32, %arg0, %c0_i32_0 : i32, i32, i32
  }
  func.func @transform_2(%arg0: i32) -> (i32, i32, i32) {
    %c0_i32 = arith.constant 0 : i32
    %c0_i32_0 = arith.constant 0 : i32
    %c0_i32_1 = arith.constant 0 : i32
    %c0_i32_2 = arith.constant 0 : i32
    return %c0_i32, %c0_i32_0, %c0_i32_1 : i32, i32, i32
  }
  func.func @transform_3(%arg0: i32) -> (i32, i32) {
    %c0_i32 = arith.constant 0 : i32
    %c0_i32_0 = arith.constant 0 : i32
    %c0_i32_1 = arith.constant 0 : i32
    return %c0_i32, %c0_i32_0 : i32, i32
  }
  func.func @transform_4(%arg0: i32) -> (i32, i32) {
    %c0_i32 = arith.constant 0 : i32
    %c0_i32_0 = arith.constant 0 : i32
    %c0_i32_1 = arith.constant 0 : i32
    return %c0_i32, %c0_i32_0 : i32, i32
  }
  func.func @transform_5(%arg0: i32) -> (i32, i32) {
    %c0_i32 = arith.constant 0 : i32
    %c0_i32_0 = arith.constant 0 : i32
    %c0_i32_1 = arith.constant 0 : i32
    return %c0_i32, %c0_i32_0 : i32, i32
  }
  func.func @transform_6(%arg0: i32) -> (i32, i32) {
    %c0_i32 = arith.constant 0 : i32
    %c0_i32_0 = arith.constant 0 : i32
    return %arg0, %c0_i32 : i32, i32
  }
}

module attributes {stable_mosaic.version = 14 : i64} {
  func.func @_tc2_body(%arg0: i32, %arg1: memref<1280x128xf32, #tpu.memory_space<vmem>>, %arg2: memref<2x1280x128xf32, #tpu.memory_space<vmem>>, %arg3: memref<32x80x128xf32, #tpu.memory_space<vmem>>, %arg4: memref<1280x128xf32, #tpu.memory_space<vmem>>, %arg5: memref<1280x2xf32, #tpu.memory_space<vmem>>, %arg6: memref<128x128xf32, #tpu.memory_space<vmem>>, %arg7: memref<128x128xf32, #tpu.memory_space<vmem>>, %arg8: memref<1x128xf32, #tpu.memory_space<vmem>>, %arg9: memref<128x64xf32, #tpu.memory_space<vmem>>, %arg10: memref<1x64xf32, #tpu.memory_space<vmem>>, %arg11: memref<64x2xf32, #tpu.memory_space<vmem>>, %arg12: memref<1x2xf32, #tpu.memory_space<vmem>>, %arg13: memref<1280x2xf32, #tpu.memory_space<vmem>>, %arg14: memref<16x128xf32, #tpu.memory_space<vmem>>) attributes {dimension_semantics = [#tpu.dimension_semantics<arbitrary>], iteration_bounds = array<i64: 8>, scalar_prefetch = 0 : i64, scratch_operands = 0 : i64, tpu.core_type = #tpu.core_type<tc>, window_params = [{transform_indices = @transform_0, window_bounds = array<i64: 1280, 128>}, {transform_indices = @transform_1, window_bounds = array<i64: 2, 1280, 128>}, {pipeline_mode = #tpu.pipeline_mode<synchronous>, transform_indices = @transform_2, window_bounds = array<i64: 32, 80, 128>}, {transform_indices = @transform_3, window_bounds = array<i64: 1280, 128>}, {transform_indices = @transform_4, window_bounds = array<i64: 1280, 2>}, {pipeline_mode = #tpu.pipeline_mode<synchronous>, transform_indices = @transform_5, window_bounds = array<i64: 128, 128>}, {pipeline_mode = #tpu.pipeline_mode<synchronous>, transform_indices = @transform_6, window_bounds = array<i64: 128, 128>}, {pipeline_mode = #tpu.pipeline_mode<synchronous>, transform_indices = @transform_7, window_bounds = array<i64: 1, 128>}, {pipeline_mode = #tpu.pipeline_mode<synchronous>, transform_indices = @transform_8, window_bounds = array<i64: 128, 64>}, {pipeline_mode = #tpu.pipeline_mode<synchronous>, transform_indices = @transform_9, window_bounds = array<i64: 1, 64>}, {pipeline_mode = #tpu.pipeline_mode<synchronous>, transform_indices = @transform_10, window_bounds = array<i64: 64, 2>}, {pipeline_mode = #tpu.pipeline_mode<synchronous>, transform_indices = @transform_11, window_bounds = array<i64: 1, 2>}, {transform_indices = @transform_12, window_bounds = array<i64: 1280, 2>}, {pipeline_mode = #tpu.pipeline_mode<synchronous>, transform_indices = @transform_13, window_bounds = array<i64: 16, 128>}]} {
    %get3A = arith.constant 0 : index
    %get3A_0 = arith.constant 0 : index
    %get3A_1 = arith.constant 0 : index
    %get3A_2 = vector.load %arg3[%get3A, %get3A_0, %get3A_1] : memref<32x80x128xf32, #tpu.memory_space<vmem>>, vector<32x80x128xf32>
    %reduce_sum3A = arith.constant dense<0.000000e+00> : vector<80x128xf32>
    %reduce_sum3A_3 = vector.multi_reduction <add>, %get3A_2, %reduce_sum3A [0] : vector<32x80x128xf32> to vector<80x128xf32>
    %iota3A = tpu.iota {dimensions = array<i32: 0>} : vector<1280x80xi32>
    %shift_right_arithmetic3A = arith.constant 7 : i32
    %shift_right_arithmetic3A_4 = vector.broadcast %shift_right_arithmetic3A : i32 to vector<1280x80xi32>
    %shift_right_arithmetic3A_5 = arith.shrsi %iota3A, %shift_right_arithmetic3A_4 : vector<1280x80xi32>
    %mul3A = arith.constant 10 : i32
    %mul3A_6 = arith.muli %mul3A, %arg0 : i32
    %add3A = vector.broadcast %mul3A_6 : i32 to vector<1280x80xi32>
    %add3A_7 = arith.addi %shift_right_arithmetic3A_5, %add3A : vector<1280x80xi32>
    %iota3A_8 = tpu.iota {dimensions = array<i32: 1>} : vector<1280x80xi32>
    %eq3A = arith.cmpi eq, %add3A_7, %iota3A_8 : vector<1280x80xi32>
    %convert_element_type3A = arith.extui %eq3A : vector<1280x80xi1> to vector<1280x80xi32>
    %convert_element_type3A_9 = arith.sitofp %convert_element_type3A : vector<1280x80xi32> to vector<1280x80xf32>
    %dot_general3A = arith.constant dense<0.000000e+00> : vector<1280x128xf32>
    %dot_general3A_10 = tpu.matmul %convert_element_type3A_9, %reduce_sum3A_3, %dot_general3A {dimension_numbers = #tpu.dot_dimension_numbers<[1], [0], [0], [1], [0, 0, 1, 1], [], []>, transpose_lhs_hint = false} : vector<1280x80xf32>, vector<80x128xf32>, vector<1280x128xf32> -> vector<1280x128xf32>
    %iota3A_11 = tpu.iota {dimensions = array<i32: 0>} : vector<1280x128xi32>
    %and3A = arith.constant 127 : i32
    %and3A_12 = vector.broadcast %and3A : i32 to vector<1280x128xi32>
    %and3A_13 = arith.andi %iota3A_11, %and3A_12 : vector<1280x128xi32>
    %iota3A_14 = tpu.iota {dimensions = array<i32: 1>} : vector<1280x128xi32>
    %eq3A_15 = arith.cmpi eq, %and3A_13, %iota3A_14 : vector<1280x128xi32>
    %convert_element_type3A_16 = arith.extui %eq3A_15 : vector<1280x128xi1> to vector<1280x128xi32>
    %convert_element_type3A_17 = arith.sitofp %convert_element_type3A_16 : vector<1280x128xi32> to vector<1280x128xf32>
    %mul3A_18 = arith.mulf %dot_general3A_10, %convert_element_type3A_17 : vector<1280x128xf32>
    %reduce_sum3A_19 = arith.constant dense<0.000000e+00> : vector<1280xf32>
    %reduce_sum3A_20 = vector.multi_reduction <add>, %mul3A_18, %reduce_sum3A_19 [1] : vector<1280x128xf32> to vector<1280xf32>
    %broadcast_in_dim3A = vector.shape_cast %reduce_sum3A_20 : vector<1280xf32> to vector<1280x1xf32>
    %max3A = arith.constant 1.000000e+00 : f32
    %max3A_21 = vector.broadcast %max3A : f32 to vector<1280x1xf32>
    %max3A_22 = arith.maximumf %broadcast_in_dim3A, %max3A_21 : vector<1280x1xf32>
    %get3A_23 = arith.constant 0 : index
    %get3A_24 = arith.constant 0 : index
    %get3A_25 = arith.constant 0 : index
    %get3A_26 = vector.load %arg2[%get3A_23, %get3A_24, %get3A_25] : memref<2x1280x128xf32, #tpu.memory_space<vmem>>, vector<1x1280x128xf32>
    %get3A_27 = vector.shape_cast %get3A_26 : vector<1x1280x128xf32> to vector<1280x128xf32>
    %get3A_28 = arith.constant 1 : index
    %get3A_29 = arith.constant 0 : index
    %get3A_30 = arith.constant 0 : index
    %get3A_31 = vector.load %arg2[%get3A_28, %get3A_29, %get3A_30] : memref<2x1280x128xf32, #tpu.memory_space<vmem>>, vector<1x1280x128xf32>
    %get3A_32 = vector.shape_cast %get3A_31 : vector<1x1280x128xf32> to vector<1280x128xf32>
    %add3A_33 = arith.addf %get3A_27, %get3A_32 : vector<1280x128xf32>
    %div3A = vector.broadcast %max3A_22 : vector<1280x1xf32> to vector<1280x128xf32>
    %div3A_34 = arith.divf %add3A_33, %div3A : vector<1280x128xf32>
    %get3A_35 = arith.constant 0 : index
    %get3A_36 = arith.constant 0 : index
    %get3A_37 = vector.load %arg6[%get3A_35, %get3A_36] : memref<128x128xf32, #tpu.memory_space<vmem>>, vector<128x128xf32>
    %dot_general3A_38 = arith.constant dense<0.000000e+00> : vector<1280x128xf32>
    %dot_general3A_39 = tpu.matmul %div3A_34, %get3A_37, %dot_general3A_38 {dimension_numbers = #tpu.dot_dimension_numbers<[1], [0], [0], [1], [0, 0, 1, 1], [], []>, transpose_lhs_hint = false} : vector<1280x128xf32>, vector<128x128xf32>, vector<1280x128xf32> -> vector<1280x128xf32>
    %get3A_40 = arith.constant 0 : index
    %get3A_41 = arith.constant 0 : index
    %get3A_42 = vector.load %arg1[%get3A_40, %get3A_41] : memref<1280x128xf32, #tpu.memory_space<vmem>>, vector<1280x128xf32>
    %get3A_43 = arith.constant 0 : index
    %get3A_44 = arith.constant 0 : index
    %get3A_45 = vector.load %arg7[%get3A_43, %get3A_44] : memref<128x128xf32, #tpu.memory_space<vmem>>, vector<128x128xf32>
    %dot_general3A_46 = arith.constant dense<0.000000e+00> : vector<1280x128xf32>
    %dot_general3A_47 = tpu.matmul %get3A_42, %get3A_45, %dot_general3A_46 {dimension_numbers = #tpu.dot_dimension_numbers<[1], [0], [0], [1], [0, 0, 1, 1], [], []>, transpose_lhs_hint = false} : vector<1280x128xf32>, vector<128x128xf32>, vector<1280x128xf32> -> vector<1280x128xf32>
    %add3A_48 = arith.addf %dot_general3A_39, %dot_general3A_47 : vector<1280x128xf32>
    %get3A_49 = arith.constant 0 : index
    %get3A_50 = arith.constant 0 : index
    %get3A_51 = vector.load %arg8[%get3A_49, %get3A_50] : memref<1x128xf32, #tpu.memory_space<vmem>>, vector<1x128xf32>
    %add3A_52 = vector.broadcast %get3A_51 : vector<1x128xf32> to vector<1280x128xf32>
    %add3A_53 = arith.addf %add3A_48, %add3A_52 : vector<1280x128xf32>
    %get3A_54 = arith.constant 0 : index
    %get3A_55 = arith.constant 0 : index
    %get3A_56 = vector.load %arg9[%get3A_54, %get3A_55] : memref<128x64xf32, #tpu.memory_space<vmem>>, vector<128x64xf32>
    %dot_general3A_57 = arith.constant dense<0.000000e+00> : vector<1280x64xf32>
    %dot_general3A_58 = tpu.matmul %add3A_53, %get3A_56, %dot_general3A_57 {dimension_numbers = #tpu.dot_dimension_numbers<[1], [0], [0], [1], [0, 0, 1, 1], [], []>, transpose_lhs_hint = false} : vector<1280x128xf32>, vector<128x64xf32>, vector<1280x64xf32> -> vector<1280x64xf32>
    %get3A_59 = arith.constant 0 : index
    %get3A_60 = arith.constant 0 : index
    %get3A_61 = vector.load %arg10[%get3A_59, %get3A_60] : memref<1x64xf32, #tpu.memory_space<vmem>>, vector<1x64xf32>
    %add3A_62 = vector.broadcast %get3A_61 : vector<1x64xf32> to vector<1280x64xf32>
    %add3A_63 = arith.addf %dot_general3A_58, %add3A_62 : vector<1280x64xf32>
    %tanh3A = math.tanh %add3A_63 : vector<1280x64xf32>
    %get3A_64 = arith.constant 0 : index
    %get3A_65 = arith.constant 0 : index
    %get3A_66 = vector.load %arg11[%get3A_64, %get3A_65] : memref<64x2xf32, #tpu.memory_space<vmem>>, vector<64x2xf32>
    %dot_general3A_67 = arith.constant dense<0.000000e+00> : vector<1280x2xf32>
    %dot_general3A_68 = tpu.matmul %tanh3A, %get3A_66, %dot_general3A_67 {dimension_numbers = #tpu.dot_dimension_numbers<[1], [0], [0], [1], [0, 0, 1, 1], [], []>, transpose_lhs_hint = false} : vector<1280x64xf32>, vector<64x2xf32>, vector<1280x2xf32> -> vector<1280x2xf32>
    %get3A_69 = arith.constant 0 : index
    %get3A_70 = arith.constant 0 : index
    %get3A_71 = vector.load %arg12[%get3A_69, %get3A_70] : memref<1x2xf32, #tpu.memory_space<vmem>>, vector<1x2xf32>
    %add3A_72 = vector.broadcast %get3A_71 : vector<1x2xf32> to vector<1280x2xf32>
    %add3A_73 = arith.addf %dot_general3A_68, %add3A_72 : vector<1280x2xf32>
    %slice3A = vector.extract_strided_slice %add3A_73 {offsets = [0, 0], sizes = [1280, 1], strides = [1, 1]} : vector<1280x2xf32> to vector<1280x1xf32>
    %slice3A_74 = vector.extract_strided_slice %add3A_73 {offsets = [0, 1], sizes = [1280, 1], strides = [1, 1]} : vector<1280x2xf32> to vector<1280x1xf32>
    %max3A_75 = arith.maximumf %slice3A, %slice3A_74 : vector<1280x1xf32>
    %sub3A = arith.subf %slice3A, %max3A_75 : vector<1280x1xf32>
    %exp3A = math.exp %sub3A : vector<1280x1xf32>
    %sub3A_76 = arith.subf %slice3A_74, %max3A_75 : vector<1280x1xf32>
    %exp3A_77 = math.exp %sub3A_76 : vector<1280x1xf32>
    %add3A_78 = arith.addf %exp3A, %exp3A_77 : vector<1280x1xf32>
    %div3A_79 = arith.divf %exp3A, %add3A_78 : vector<1280x1xf32>
    %div3A_80 = arith.divf %exp3A_77, %add3A_78 : vector<1280x1xf32>
    %concatenate3A = tpu.concatenate %div3A_79, %div3A_80 in 1 : vector<1280x1xf32>, vector<1280x1xf32> -> vector<1280x2xf32>
    %swap3A = arith.constant 0 : index
    %swap3A_81 = arith.constant 0 : index
    %swap3A_82 = vector.load %arg13[%swap3A, %swap3A_81] : memref<1280x2xf32, #tpu.memory_space<vmem>>, vector<1280x2xf32>
    tpu.vector_store %arg13[%swap3A, %swap3A_81], %concatenate3A {strides = array<i32>} : memref<1280x2xf32, #tpu.memory_space<vmem>>, vector<1280x2xf32>,
    %get3A_83 = arith.constant 0 : index
    %get3A_84 = arith.constant 0 : index
    %get3A_85 = vector.load %arg5[%get3A_83, %get3A_84] : memref<1280x2xf32, #tpu.memory_space<vmem>>, vector<1280x1xf32>
    %add3A_86 = arith.addf %div3A_79, %get3A_85 : vector<1280x1xf32>
    %get3A_87 = arith.constant 0 : index
    %get3A_88 = arith.constant 1 : index
    %get3A_89 = vector.load %arg5[%get3A_87, %get3A_88] : memref<1280x2xf32, #tpu.memory_space<vmem>>, vector<1280x1xf32>
    %add3A_90 = arith.addf %div3A_80, %get3A_89 : vector<1280x1xf32>
    %max3A_91 = arith.maximumf %add3A_86, %add3A_90 : vector<1280x1xf32>
    %sub3A_92 = arith.subf %add3A_86, %max3A_91 : vector<1280x1xf32>
    %exp3A_93 = math.exp %sub3A_92 : vector<1280x1xf32>
    %sub3A_94 = arith.subf %add3A_90, %max3A_91 : vector<1280x1xf32>
    %exp3A_95 = math.exp %sub3A_94 : vector<1280x1xf32>
    %add3A_96 = arith.addf %exp3A_93, %exp3A_95 : vector<1280x1xf32>
    %div3A_97 = arith.divf %exp3A_93, %add3A_96 : vector<1280x1xf32>
    %div3A_98 = arith.divf %exp3A_95, %add3A_96 : vector<1280x1xf32>
    %mul3A_99 = arith.constant 1280 : i32
    %mul3A_100 = arith.muli %arg0, %mul3A_99 : i32
    %iota3A_101 = tpu.iota {dimensions = array<i32: 0>} : vector<1280x1xi32>
    %add3A_102 = vector.broadcast %mul3A_100 : i32 to vector<1280x1xi32>
    %add3A_103 = arith.addi %add3A_102, %iota3A_101 : vector<1280x1xi32>
    %lt3A = arith.constant 10000 : i32
    %lt3A_104 = vector.broadcast %lt3A : i32 to vector<1280x1xi32>
    %lt3A_105 = arith.cmpi slt, %add3A_103, %lt3A_104 : vector<1280x1xi32>
    %jit3A = arith.constant 0.000000e+00 : f32
    %broadcast_in_dim3A_106 = vector.shape_cast %lt3A_105 : vector<1280x1xi1> to vector<1280x1xi1>
    %broadcast_in_dim3A_107 = vector.broadcast %broadcast_in_dim3A_106 : vector<1280x1xi1> to vector<1280x128xi1>
    %broadcast_in_dim3A_108 = vector.broadcast %jit3A : f32 to vector<1280x128xf32>
    %select_n3A = arith.select %broadcast_in_dim3A_107, %add3A_53, %broadcast_in_dim3A_108 : vector<1280x128xi1>, vector<1280x128xf32>
    %jit3A_109 = arith.constant 0.000000e+00 : f32
    %broadcast_in_dim3A_110 = vector.broadcast %jit3A_109 : f32 to vector<1280x1xf32>
    %select_n3A_111 = arith.select %lt3A_105, %div3A_97, %broadcast_in_dim3A_110 : vector<1280x1xi1>, vector<1280x1xf32>
    %jit3A_112 = arith.constant 0.000000e+00 : f32
    %broadcast_in_dim3A_113 = vector.broadcast %jit3A_112 : f32 to vector<1280x1xf32>
    %select_n3A_114 = arith.select %lt3A_105, %div3A_98, %broadcast_in_dim3A_113 : vector<1280x1xi1>, vector<1280x1xf32>
    %get3A_115 = arith.constant 0 : index
    %get3A_116 = arith.constant 0 : index
    %get3A_117 = vector.load %arg4[%get3A_115, %get3A_116] : memref<1280x128xf32, #tpu.memory_space<vmem>>, vector<1280x128xf32>
    %mul3A_118 = vector.broadcast %div3A_98 : vector<1280x1xf32> to vector<1280x128xf32>
    %mul3A_119 = arith.mulf %mul3A_118, %get3A_117 : vector<1280x128xf32>
    %jit3A_120 = arith.constant 0.000000e+00 : f32
    %broadcast_in_dim3A_121 = vector.shape_cast %lt3A_105 : vector<1280x1xi1> to vector<1280x1xi1>
    %broadcast_in_dim3A_122 = vector.broadcast %broadcast_in_dim3A_121 : vector<1280x1xi1> to vector<1280x128xi1>
    %broadcast_in_dim3A_123 = vector.broadcast %jit3A_120 : f32 to vector<1280x128xf32>
    %select_n3A_124 = arith.select %broadcast_in_dim3A_122, %mul3A_119, %broadcast_in_dim3A_123 : vector<1280x128xi1>, vector<1280x128xf32>
    %reduce_sum3A_125 = arith.constant dense<0.000000e+00> : vector<128xf32>
    %reduce_sum3A_126 = vector.multi_reduction <add>, %select_n3A, %reduce_sum3A_125 [0] : vector<1280x128xf32> to vector<128xf32>
    %broadcast_in_dim3A_127 = vector.shape_cast %reduce_sum3A_126 : vector<128xf32> to vector<1x128xf32>
    %mul3A_128 = arith.mulf %select_n3A, %select_n3A : vector<1280x128xf32>
    %reduce_sum3A_129 = arith.constant dense<0.000000e+00> : vector<128xf32>
    %reduce_sum3A_130 = vector.multi_reduction <add>, %mul3A_128, %reduce_sum3A_129 [0] : vector<1280x128xf32> to vector<128xf32>
    %broadcast_in_dim3A_131 = vector.shape_cast %reduce_sum3A_130 : vector<128xf32> to vector<1x128xf32>
    %mul3A_132 = vector.broadcast %select_n3A_111 : vector<1280x1xf32> to vector<1280x128xf32>
    %mul3A_133 = arith.mulf %mul3A_132, %select_n3A : vector<1280x128xf32>
    %reduce_sum3A_134 = arith.constant dense<0.000000e+00> : vector<128xf32>
    %reduce_sum3A_135 = vector.multi_reduction <add>, %mul3A_133, %reduce_sum3A_134 [0] : vector<1280x128xf32> to vector<128xf32>
    %broadcast_in_dim3A_136 = vector.shape_cast %reduce_sum3A_135 : vector<128xf32> to vector<1x128xf32>
    %mul3A_137 = arith.mulf %select_n3A_111, %select_n3A_111 : vector<1280x1xf32>
    %mul3A_138 = vector.broadcast %mul3A_137 : vector<1280x1xf32> to vector<1280x128xf32>
    %mul3A_139 = arith.mulf %mul3A_138, %select_n3A : vector<1280x128xf32>
    %reduce_sum3A_140 = arith.constant dense<0.000000e+00> : vector<128xf32>
    %reduce_sum3A_141 = vector.multi_reduction <add>, %mul3A_139, %reduce_sum3A_140 [0] : vector<1280x128xf32> to vector<128xf32>
    %broadcast_in_dim3A_142 = vector.shape_cast %reduce_sum3A_141 : vector<128xf32> to vector<1x128xf32>
    %mul3A_143 = arith.mulf %select_n3A_111, %select_n3A_111 : vector<1280x1xf32>
    %mul3A_144 = arith.mulf %select_n3A, %select_n3A : vector<1280x128xf32>
    %mul3A_145 = vector.broadcast %mul3A_143 : vector<1280x1xf32> to vector<1280x128xf32>
    %mul3A_146 = arith.mulf %mul3A_145, %mul3A_144 : vector<1280x128xf32>
    %reduce_sum3A_147 = arith.constant dense<0.000000e+00> : vector<128xf32>
    %reduce_sum3A_148 = vector.multi_reduction <add>, %mul3A_146, %reduce_sum3A_147 [0] : vector<1280x128xf32> to vector<128xf32>
    %broadcast_in_dim3A_149 = vector.shape_cast %reduce_sum3A_148 : vector<128xf32> to vector<1x128xf32>
    %reduce_sum3A_150 = arith.constant dense<0.000000e+00> : vector<128xf32>
    %reduce_sum3A_151 = vector.multi_reduction <add>, %select_n3A_124, %reduce_sum3A_150 [0] : vector<1280x128xf32> to vector<128xf32>
    %broadcast_in_dim3A_152 = vector.shape_cast %reduce_sum3A_151 : vector<128xf32> to vector<1x128xf32>
    %reduce_sum3A_153 = vector.shape_cast %select_n3A_114 : vector<1280x1xf32> to vector<1x1280x1xf32>
    %reduce_sum3A_154 = arith.constant dense<0.000000e+00> : vector<1xf32>
    %reduce_sum3A_155 = vector.multi_reduction <add>, %reduce_sum3A_153, %reduce_sum3A_154 [1, 2] : vector<1x1280x1xf32> to vector<1xf32>
    %reduce_sum3A_156 = vector.shape_cast %reduce_sum3A_155 : vector<1xf32> to vector<1x1x1xf32>
    %reduce_sum3A_157 = vector.extract %reduce_sum3A_156[0, 0, 0] : f32 from vector<1x1x1xf32>
    %reshape3A = vector.broadcast %reduce_sum3A_157 : f32 to vector<1x1xf32>
    %broadcast_in_dim3A_158 = vector.shape_cast %reshape3A : vector<1x1xf32> to vector<1x1xf32>
    %broadcast_in_dim3A_159 = vector.broadcast %broadcast_in_dim3A_158 : vector<1x1xf32> to vector<1x128xf32>
    %mul3A_160 = arith.mulf %select_n3A_114, %select_n3A_114 : vector<1280x1xf32>
    %reduce_sum3A_161 = vector.shape_cast %mul3A_160 : vector<1280x1xf32> to vector<1x1280x1xf32>
    %reduce_sum3A_162 = arith.constant dense<0.000000e+00> : vector<1xf32>
    %reduce_sum3A_163 = vector.multi_reduction <add>, %reduce_sum3A_161, %reduce_sum3A_162 [1, 2] : vector<1x1280x1xf32> to vector<1xf32>
    %reduce_sum3A_164 = vector.shape_cast %reduce_sum3A_163 : vector<1xf32> to vector<1x1x1xf32>
    %reduce_sum3A_165 = vector.extract %reduce_sum3A_164[0, 0, 0] : f32 from vector<1x1x1xf32>
    %reshape3A_166 = vector.broadcast %reduce_sum3A_165 : f32 to vector<1x1xf32>
    %broadcast_in_dim3A_167 = vector.shape_cast %reshape3A_166 : vector<1x1xf32> to vector<1x1xf32>
    %broadcast_in_dim3A_168 = vector.broadcast %broadcast_in_dim3A_167 : vector<1x1xf32> to vector<1x128xf32>
    %mul3A_169 = arith.mulf %select_n3A_111, %select_n3A_111 : vector<1280x1xf32>
    %reduce_sum3A_170 = vector.shape_cast %mul3A_169 : vector<1280x1xf32> to vector<1x1280x1xf32>
    %reduce_sum3A_171 = arith.constant dense<0.000000e+00> : vector<1xf32>
    %reduce_sum3A_172 = vector.multi_reduction <add>, %reduce_sum3A_170, %reduce_sum3A_171 [1, 2] : vector<1x1280x1xf32> to vector<1xf32>
    %reduce_sum3A_173 = vector.shape_cast %reduce_sum3A_172 : vector<1xf32> to vector<1x1x1xf32>
    %reduce_sum3A_174 = vector.extract %reduce_sum3A_173[0, 0, 0] : f32 from vector<1x1x1xf32>
    %reshape3A_175 = vector.broadcast %reduce_sum3A_174 : f32 to vector<1x1xf32>
    %broadcast_in_dim3A_176 = vector.shape_cast %reshape3A_175 : vector<1x1xf32> to vector<1x1xf32>
    %broadcast_in_dim3A_177 = vector.broadcast %broadcast_in_dim3A_176 : vector<1x1xf32> to vector<1x128xf32>
    %gt3A = arith.constant 5.000000e-01 : f32
    %gt3A_178 = vector.broadcast %gt3A : f32 to vector<1280x1xf32>
    %gt3A_179 = arith.cmpf ogt, %div3A_79, %gt3A_178 : vector<1280x1xf32>
    %and3A_180 = arith.andi %lt3A_105, %gt3A_179 : vector<1280x1xi1>
    %jit3A_181 = arith.constant 1.000000e+00 : f32
    %jit3A_182 = arith.constant 0.000000e+00 : f32
    %broadcast_in_dim3A_183 = vector.broadcast %jit3A_181 : f32 to vector<1280x1xf32>
    %broadcast_in_dim3A_184 = vector.broadcast %jit3A_182 : f32 to vector<1280x1xf32>
    %select_n3A_185 = arith.select %and3A_180, %broadcast_in_dim3A_183, %broadcast_in_dim3A_184 : vector<1280x1xi1>, vector<1280x1xf32>
    %reduce_sum3A_186 = vector.shape_cast %select_n3A_185 : vector<1280x1xf32> to vector<1x1280x1xf32>
    %reduce_sum3A_187 = arith.constant dense<0.000000e+00> : vector<1xf32>
    %reduce_sum3A_188 = vector.multi_reduction <add>, %reduce_sum3A_186, %reduce_sum3A_187 [1, 2] : vector<1x1280x1xf32> to vector<1xf32>
    %reduce_sum3A_189 = vector.shape_cast %reduce_sum3A_188 : vector<1xf32> to vector<1x1x1xf32>
    %reduce_sum3A_190 = vector.extract %reduce_sum3A_189[0, 0, 0] : f32 from vector<1x1x1xf32>
    %reshape3A_191 = vector.broadcast %reduce_sum3A_190 : f32 to vector<1x1xf32>
    %broadcast_in_dim3A_192 = vector.shape_cast %reshape3A_191 : vector<1x1xf32> to vector<1x1xf32>
    %broadcast_in_dim3A_193 = vector.broadcast %broadcast_in_dim3A_192 : vector<1x1xf32> to vector<1x128xf32>
    %broadcast_in_dim3A_194 = arith.constant 0.000000e+00 : f32
    %broadcast_in_dim3A_195 = vector.broadcast %broadcast_in_dim3A_194 : f32 to vector<6x128xf32>
    %concatenate3A_196 = tpu.concatenate %broadcast_in_dim3A_127, %broadcast_in_dim3A_131, %broadcast_in_dim3A_136, %broadcast_in_dim3A_142, %broadcast_in_dim3A_149, %broadcast_in_dim3A_152, %broadcast_in_dim3A_159, %broadcast_in_dim3A_168, %broadcast_in_dim3A_177, %broadcast_in_dim3A_193, %broadcast_in_dim3A_195 in 0 : vector<1x128xf32>, vector<1x128xf32>, vector<1x128xf32>, vector<1x128xf32>, vector<1x128xf32>, vector<1x128xf32>, vector<1x128xf32>, vector<1x128xf32>, vector<1x128xf32>, vector<1x128xf32>, vector<6x128xf32> -> vector<16x128xf32>
    %eq3A_197 = arith.constant 0 : i32
    %eq3A_198 = arith.cmpi eq, %arg0, %eq3A_197 : i32
    %convert_element_type3A_199 = arith.extui %eq3A_198 : i1 to i32
    %cond3A = arith.constant 0 : i32
    %cond3A_200 = arith.cmpi ne, %convert_element_type3A_199, %cond3A : i32
    scf.if %cond3A_200 {
      %broadcast_in_dim3A_208 = arith.constant 0.000000e+00 : f32
      %broadcast_in_dim3A_209 = vector.broadcast %broadcast_in_dim3A_208 : f32 to vector<16x128xf32>
      %swap3A_210 = arith.constant 0 : index
      %swap3A_211 = arith.constant 0 : index
      %swap3A_212 = vector.load %arg14[%swap3A_210, %swap3A_211] : memref<16x128xf32, #tpu.memory_space<vmem>>, vector<16x128xf32>
      tpu.vector_store %arg14[%swap3A_210, %swap3A_211], %broadcast_in_dim3A_209 {strides = array<i32>} : memref<16x128xf32, #tpu.memory_space<vmem>>, vector<16x128xf32>,
    } else {
    }
    %get3A_201 = arith.constant 0 : index
    %get3A_202 = arith.constant 0 : index
    %get3A_203 = vector.load %arg14[%get3A_201, %get3A_202] : memref<16x128xf32, #tpu.memory_space<vmem>>, vector<16x128xf32>
    %add3A_204 = arith.addf %get3A_203, %concatenate3A_196 : vector<16x128xf32>
    %swap3A_205 = arith.constant 0 : index
    %swap3A_206 = arith.constant 0 : index
    %swap3A_207 = vector.load %arg14[%swap3A_205, %swap3A_206] : memref<16x128xf32, #tpu.memory_space<vmem>>, vector<16x128xf32>
    tpu.vector_store %arg14[%swap3A_205, %swap3A_206], %add3A_204 {strides = array<i32>} : memref<16x128xf32, #tpu.memory_space<vmem>>, vector<16x128xf32>,
    return
  }
  func.func @transform_0(%arg0: i32) -> (i32, i32) {
    %c0_i32 = arith.constant 0 : i32
    %c0_i32_0 = arith.constant 0 : i32
    return %arg0, %c0_i32 : i32, i32
  }
  func.func @transform_1(%arg0: i32) -> (i32, i32, i32) {
    %c0_i32 = arith.constant 0 : i32
    %c0_i32_0 = arith.constant 0 : i32
    %c0_i32_1 = arith.constant 0 : i32
    return %c0_i32, %arg0, %c0_i32_0 : i32, i32, i32
  }
  func.func @transform_2(%arg0: i32) -> (i32, i32, i32) {
    %c0_i32 = arith.constant 0 : i32
    %c0_i32_0 = arith.constant 0 : i32
    %c0_i32_1 = arith.constant 0 : i32
    %c0_i32_2 = arith.constant 0 : i32
    return %c0_i32, %c0_i32_0, %c0_i32_1 : i32, i32, i32
  }
  func.func @transform_3(%arg0: i32) -> (i32, i32) {
    %c0_i32 = arith.constant 0 : i32
    %c0_i32_0 = arith.constant 0 : i32
    return %arg0, %c0_i32 : i32, i32
  }
  func.func @transform_4(%arg0: i32) -> (i32, i32) {
    %c0_i32 = arith.constant 0 : i32
    %c0_i32_0 = arith.constant 0 : i32
    return %arg0, %c0_i32 : i32, i32
  }
  func.func @transform_5(%arg0: i32) -> (i32, i32) {
    %c0_i32 = arith.constant 0 : i32
    %c0_i32_0 = arith.constant 0 : i32
    %c0_i32_1 = arith.constant 0 : i32
    return %c0_i32, %c0_i32_0 : i32, i32
  }
  func.func @transform_6(%arg0: i32) -> (i32, i32) {
    %c0_i32 = arith.constant 0 : i32
    %c0_i32_0 = arith.constant 0 : i32
    %c0_i32_1 = arith.constant 0 : i32
    return %c0_i32, %c0_i32_0 : i32, i32
  }
  func.func @transform_7(%arg0: i32) -> (i32, i32) {
    %c0_i32 = arith.constant 0 : i32
    %c0_i32_0 = arith.constant 0 : i32
    %c0_i32_1 = arith.constant 0 : i32
    return %c0_i32, %c0_i32_0 : i32, i32
  }
  func.func @transform_8(%arg0: i32) -> (i32, i32) {
    %c0_i32 = arith.constant 0 : i32
    %c0_i32_0 = arith.constant 0 : i32
    %c0_i32_1 = arith.constant 0 : i32
    return %c0_i32, %c0_i32_0 : i32, i32
  }
  func.func @transform_9(%arg0: i32) -> (i32, i32) {
    %c0_i32 = arith.constant 0 : i32
    %c0_i32_0 = arith.constant 0 : i32
    %c0_i32_1 = arith.constant 0 : i32
    return %c0_i32, %c0_i32_0 : i32, i32
  }
  func.func @transform_10(%arg0: i32) -> (i32, i32) {
    %c0_i32 = arith.constant 0 : i32
    %c0_i32_0 = arith.constant 0 : i32
    %c0_i32_1 = arith.constant 0 : i32
    return %c0_i32, %c0_i32_0 : i32, i32
  }
  func.func @transform_11(%arg0: i32) -> (i32, i32) {
    %c0_i32 = arith.constant 0 : i32
    %c0_i32_0 = arith.constant 0 : i32
    %c0_i32_1 = arith.constant 0 : i32
    return %c0_i32, %c0_i32_0 : i32, i32
  }
  func.func @transform_12(%arg0: i32) -> (i32, i32) {
    %c0_i32 = arith.constant 0 : i32
    %c0_i32_0 = arith.constant 0 : i32
    return %arg0, %c0_i32 : i32, i32
  }
  func.func @transform_13(%arg0: i32) -> (i32, i32) {
    %c0_i32 = arith.constant 0 : i32
    %c0_i32_0 = arith.constant 0 : i32
    %c0_i32_1 = arith.constant 0 : i32
    return %c0_i32, %c0_i32_0 : i32, i32
  }
}

</mosaic_0001>

<sc_bundles>
// kernel: kernel.11.cloned.1.call-start
scs
__scs_entry_jumppad:
0x0: {  	(pc) =	sbr.rel $0x88, $3  }
0x1: {  	(tag) =	ssettag $0x0;
	lr =	simm.s32 $0x1  }
0x2: {  	[smem:$0x3F95] =	sst lr;
	_ =	strace $0xD0000000  }
0x3: {  	_ = 	snop  }
0x4: {  	_ = 	snop  }
0x5: {  	_ = 	snop  }
0x6: {  	_ = 	snop  }
0x7: {  	_ = 	snop  }
__scs_overlays_trampoline_lowered:
0x8: {  	[smem:$0x3FA4] =	sst s0  }
0x9: {  	[smem:$0x3FA5] =	sst s1  }
0xa: {  	[smem:$0x3FA6] =	sst s2  }
0xb: {  	[smem:$0x3FA7] =	sst s3  }
0xc: {  	[smem:$0x3FA8] =	sst s4  }
0xd: {  	[smem:$0x3FA9] =	sst s5  }
0xe: {  	[smem:$0x3FAA] =	sst s6  }
0xf: {  	[smem:$0x3FAB] =	sst s7  }
0x10: {  	[smem:$0x3FAC] =	sst s8  }
0x11: {  	[smem:$0x3FAD] =	sst s9;
	s0 =	simm.s32 @!p0 $0x0  }
0x12: {  	s1 =	sld [smem:$0x3F93];
	s0 =	simm.s32 @p0 $0x1  }
0x13: {  	[smem:$0x3FAE] =	sst s0;
	s0 =	simm.s32 @!p1 $0x0  }
0x14: {  	s2 =	sld [smem:$0x3F92];
	s0 =	simm.s32 @p1 $0x1  }
0x15: {  	[smem:$0x3FAF] =	sst s0;
	s0 =	simm.s32 @!p2 $0x0  }
0x16: {  	s3 =	sld [smem:$0x3FDB];
	s0 =	simm.s32 @p2 $0x1  }
0x17: {  	s4 =	simm.s32 $0x1BF5;
	[smem:$0x3FB1] =	sst s0  }
0x18: {  	s0 =	sld [smem:$0x3F94];
	_ =	swait.ge [sflag:s4], $0x0  }
0x19: {  	s7 =	sld [smem:$0x3F95]  }
0x1a: {  	s8 =	sadd.s32 $0xFFFFE003, lr  }
0x1b: {  	s9 =	sadd.s32 $0xFFFFFEF7, lr;
	s5 =	simm.s32 $0xFFFFFFFF;
	p2 =	slt.u32 s8, $0xFFFFF086  }
0x1c: {  	p1 =	slt.u32 s9, $0xF7A;
	s5 =	simm.s32 @!p2 $0x0  }
0x1d: {  	s5 =	simm.s32 @p1 $0x1;
	p0 =	seq.s32 s7, s2  }
0x1e: {  	s7 =	smul.u32 @!p0 $0xF7A, s2;
	p2 =	seq.s32 @!p0 s5, $0x0  }
0x1f: {  	s9 =	smul.u32 $0xF7A, s1;
	s8 =	simm.s32 @!p0 $0x1BF5;
	p2 =	por !p2, p0  }
0x20: {  	[sflag:s8] =	ssyncset.s32 @!p0 $0xFFFFF086;
	s6 =	sadd.s32 @!p0 s3, s7;
	s7 =	simm.s32 @!p0 $0x108  }
0x21: {  	s3 =	sadd.s32 s3, s9;
	s6 =	sadd.s32 @!p0 $0x88, s6;
	s7 =	simm.s32 @p2 $0x1082  }
0x22: {  	[simem:s7], [sflag:s8] =	dma.local @!p0 [hbm:s6], $0xF7A  }
0x23: {  	s9 =	sor.u32 $0xD0000000, s2;
	s6 =	simm.s32 $0x108;
	_ =	swait.ge @!p0 [sflag:s8], $0x0  }
0x24: {  	s3 =	sadd.s32 $0x88, s3;
	s6 =	simm.s32 @!p1 $0x1082;
	[sflag:s4] =	ssyncset.s32 $0xFFFFF086  }
0x25: {  	[simem:s6], [sflag:s4] =	dma.local [hbm:s3], $0xF7A  }
0x26: {  	[smem:$0x3F95] =	sst s1;
	(tag) =	ssettag s2;
	_ =	strace s9  }
0x27: {  	s1 =	sld [smem:$0x3FA5]  }
0x28: {  	s2 =	sld [smem:$0x3FA6]  }
0x29: {  	s4 =	sld [smem:$0x3FA8]  }
0x2a: {  	p0 =	seq.s32 s5, $0x0;
	s5 =	sld [smem:$0x3FA9]  }
0x2b: {  	s6 =	sld [smem:$0x3FAA]  }
0x2c: {  	s7 =	sld [smem:$0x3FAB]  }
0x2d: {  	s3 =	simm.s32 $0x108;
	s8 =	sld [smem:$0x3FAC]  }
0x2e: {  	s3 =	simm.s32 @!p0 $0x1082;
	s9 =	sld [smem:$0x3FAD]  }
0x2f: {  	lr =	sadd.s32 s0, s3;
	s0 =	sld [smem:$0x3FA4]  }
0x30: {  	s3 =	sld [smem:$0x3FA7]  }
0x31: {  	[smem:$0x3FB0] =	sst s10  }
0x32: {  	s10 =	sld [smem:$0x3FAE];
	_ =	sdelay $0x3  }
0x33: {  	p0 =	seq.s32 s10, $0x1;
	s10 =	sld [smem:$0x3FB0];
	_ =	sdelay $0x3  }
0x34: {  	[smem:$0x3FB0] =	sst s10  }
0x35: {  	s10 =	sld [smem:$0x3FAF];
	_ =	sdelay $0x3  }
0x36: {  	p1 =	seq.s32 s10, $0x1;
	s10 =	sld [smem:$0x3FB0];
	_ =	sdelay $0x3  }
0x37: {  	[smem:$0x3FB0] =	sst s10  }
0x38: {  	s10 =	sld [smem:$0x3FB1]  }
0x39: {  	_ = 	snop;
	(pc) =	sbr.ind lr, $3  }
0x3a: {  	_ = 	snop  }
0x3b: {  	_ = 	snop  }
0x3c: {  	p2 =	seq.s32 s10, $0x1;
	s10 =	sld [smem:$0x3FB0]  }
0x3d: {  	_ =	shalt  }
0x3e: {  	_ =	shalt  }
0x3f: {  	_ =	shalt  }
0x40: {  	_ =	shalt  }
0x41: {  	_ =	shalt  }
0x42: {  	_ =	shalt  }
0x43: {  	_ =	shalt  }
0x44: {  	_ =	shalt  }
0x45: {  	_ =	shalt  }
0x46: {  	_ =	shalt  }
0x47: {  	_ =	shalt  }
0x48: {  	_ =	shalt  }
0x49: {  	_ =	shalt  }
0x4a: {  	_ =	shalt  }
0x4b: {  	_ =	shalt  }
0x4c: {  	_ =	shalt  }
0x4d: {  	_ =	shalt  }
0x4e: {  	_ =	shalt  }
0x4f: {  	_ =	shalt  }
0x50: {  	_ =	shalt  }
0x51: {  	_ =	shalt  }
0x52: {  	_ =	shalt  }
0x53: {  	_ =	shalt  }
0x54: {  	_ =	shalt  }
0x55: {  	_ =	shalt  }
0x56: {  	_ =	shalt  }
0x57: {  	_ =	shalt  }
0x58: {  	_ =	shalt  }
0x59: {  	_ =	shalt  }
0x5a: {  	_ =	shalt  }
0x5b: {  	_ =	shalt  }
0x5c: {  	_ =	shalt  }
0x5d: {  	_ =	shalt  }
0x5e: {  	_ =	shalt  }
0x5f: {  	_ =	shalt  }
0x60: {  	_ =	shalt  }
0x61: {  	_ =	shalt  }
0x62: {  	_ =	shalt  }
0x63: {  	_ =	shalt  }
0x64: {  	_ =	shalt  }
0x65: {  	_ =	shalt  }
0x66: {  	_ =	shalt  }
0x67: {  	_ =	shalt  }
0x68: {  	_ =	shalt  }
0x69: {  	_ =	shalt  }
0x6a: {  	_ =	shalt  }
0x6b: {  	_ =	shalt  }
0x6c: {  	_ =	shalt  }
0x6d: {  	_ =	shalt  }
0x6e: {  	_ =	shalt  }
0x6f: {  	_ =	shalt  }
0x70: {  	_ =	shalt  }
0x71: {  	_ =	shalt  }
0x72: {  	_ =	shalt  }
0x73: {  	_ =	shalt  }
0x74: {  	_ =	shalt  }
0x75: {  	_ =	shalt  }
0x76: {  	_ =	shalt  }
0x77: {  	_ =	shalt  }
0x78: {  	_ =	shalt  }
0x79: {  	_ =	shalt  }
0x7a: {  	_ =	shalt  }
0x7b: {  	_ =	shalt  }
0x7c: {  	_ =	shalt  }
0x7d: {  	_ =	shalt  }
0x7e: {  	_ =	shalt  }
0x7f: {  	_ =	shalt  }
0x80: {  	_ =	shalt  }
0x81: {  	_ =	shalt  }
0x82: {  	_ =	shalt  }
0x83: {  	_ =	shalt  }
0x84: {  	_ =	shalt  }
0x85: {  	_ =	shalt  }
0x86: {  	_ =	shalt  }
0x87: {  	_ =	shalt  }
.Lfunc_end0:
.L_simem_size_0:
called_computation.1_lowered:
.L_overlay_start_0:
0x88: {  	s2 =	sld [smem:$0x3FD9]  }
0x89: {  	s3 =	sld [smem:$0x3FFE];
	_ =	sdelay $0x1  }
0x8a: {  	s1 =	srdreg.scid  }
0x8b: {  	s0 =	sand.u32 $0x1, s1  }
0x8c: {  	s17 =	sshll.u32 s0, $0xA;
	s2 =	sadd.s32 s3, s2  }
0x8d: {  	s2 =	sadd.s32 s2, s17  }
0x8e: {  	[smem:$0x3FBC] =	sst s2  }
0x8f: {  	_ = 	snop  }
0x90: {  	(tm) =	ssettm $0x1  }
0x91: {  	s18 =	sld [smem:$0x3FFB];
	_ =	sdelay $0x3  }
0x92: {  	_ =	strace s18  }
0x93: {  	s2 =	sld [smem:$0x3FFC];
	_ =	sdelay $0x3  }
0x94: {  	_ =	strace s2  }
0x95: {  	s2 =	sld [smem:$0x3FFD];
	_ =	sdelay $0x3  }
0x96: {  	_ =	strace s2  }
0x97: {  	_ =	strace $0x8FFFFFFF  }
0x98: {  	s19 =	sld [smem:$0x3FDB];
	_ =	sdelay $0x1  }
0x99: {  	s20 =	simm.s32 $_scs_section_size  }
0x9a: {  	s4 =	simm.s32 $_size__tile_overlayer_lowered;
	s5 =	simm.s32 $_tile_overlayer_lowered  }
0x9b: {  	s6 =	simm.s32 $0x1BFF;
	s21 =	sshll.u32 s5, $0x1;
	s3 =	sadd.s32 s20, s19  }
0x9c: {  	s22 =	simm.s32 $0x0;
	s4 =	sshll.u32 s4, $0x1;
	s5 =	sadd.s32 s21, s3  }
0x9d: {  	[timem:s22], [sflag:s6] =	dma.local [hbm:s5], s4  }
0x9e: {  	_ =	swait.ge [sflag:s6], s4  }
0x9f: {  	s4 =	ssub.s32 $0x0, s4;
	[sflag:s6] =	ssyncset.done $0x0  }
0xa0: {  	[sflag:s6] =	ssyncadd.s32 s4;
	_ =	sdelay $0x1  }
0xa1: {  	s23 =	simm.s32 $0x1B8B  }
0xa2: {  	_ =	swait.ge [sflag:s23], $0x1  }
0xa3: {  	[sflag:s23] =	ssyncset.done $0x0  }
0xa4: {  	[sflag:s23] =	ssyncadd.s32 $0xFFFFFFFF  }
0xa5: {  	s4 =	sld [smem:$0x0]  }
0xa6: {  	s5 =	sand.u32 $0xFFFFFFFE, s1  }
0xa7: {  	p0 =	sne.s32 s1, s5  }
0xa8: {  	s5 =	sshll.u32 @p0 s5, $0xE  }
0xa9: {  	s5 =	sadd.s32 @p0 $0x11B8D, s5;
	s6 =	sshll.u32 @p0 s4, $0x11  }
0xaa: {  	s5 =	sor.u32 @p0 s6, s5  }
0xab: {  	[sflag:s5] =	ssyncadd.remote.s32 @p0 $0x1;
	_ =	sdelay $0x1  }
0xac: {  	s5 =	simm.s32 @p0 $0x1B8D  }
0xad: {  	_ =	swait.eq @p0 [sflag:s5], $0x1  }
0xae: {  	[sflag:s5] =	ssyncadd.s32 @p0 $0xFFFFFFFF  }
0xaf: {  	s6 =	sshll.u32 @!p0 s1, $0xE  }
0xb0: {  	s6 =	sor.u32 @!p0 $0x4000, s6;
	s5 =	simm.s32 @!p0 $0x1B8D  }
0xb1: {  	s4 =	sshll.u32 @!p0 s4, $0x11;
	s6 =	sadd.s32 @!p0 $0x11B8D, s6;
	_ =	swait.eq @!p0 [sflag:s5], $0x1  }
0xb2: {  	s4 =	sor.u32 @!p0 s4, s6;
	[sflag:s5] =	ssyncadd.s32 @!p0 $0xFFFFFFFF  }
0xb3: {  	s25 =	simm.s32 $0x1B8E;
	s24 =	sld [smem:$0x3FFE];
	[sflag:s4] =	ssyncadd.remote.s32 @!p0 $0x1  }
0xb4: {  	s26 =	simm.s32 $execute0_lowered;
	[smem:$0x3FD2] =	sst s25  }
0xb5: {  	s5 =	sshll.u32 s26, $0x1;
	_ =	strace $0x80000049;
	[dreg:$0x1] =	wrdreg $0xFFFFFFFF  }
0xb6: {  	s28 =	simm.s32 $_size_execute0_lowered;
	s3 =	sadd.s32 s3, s5;
	[dreg:$0x0] =	wrdreg $0x0  }
0xb7: {  	s5 =	sshll.u32 s28, $0x1;
	[dreg:$0x2] =	wrdreg s3  }
0xb8: {  	[dreg:$0x3] =	wrdreg s5  }
0xb9: {  	[dreg:$0x4] =	wrdreg $0xC0  }
0xba: {  	_ =	task [dreg:s22], $0x5FFFF  }
0xbb: {  	[dreg:$0x1] =	wrdreg $0xFFFFFFFF  }
0xbc: {  	[dreg:$0x0] =	wrdreg $0x60  }
0xbd: {  	[dreg:$0x2] =	wrdreg s24  }
0xbe: {  	[dreg:$0x3] =	wrdreg $0xA  }
0xbf: {  	_ =	task.clear_ibuf [dreg:s22], $0x4FFFF;
	_ =	strace $0x90000049  }
0xc0: {  	s29 =	simm.s32 $0xA;
	_ =	strace $0x8000004B  }
0xc1: {  	_ =	swait.ge [sflag:s29], $0x1  }
0xc2: {  	[sflag:s29] =	ssyncadd.s32 $0xFFFFFFFF  }
0xc3: {  	_ =	strace $0x9000004B  }
0xc4: {  	_ =	sfence  }
0xc5: {  	s30 =	sld [smem:$0x0];
	_ =	sdelay $0x2  }
0xc6: {  	s31 =	sshll.u32 s1, $0xD;
	s1 =	sshrl.u32 s1, $0x2  }
0xc7: {  	s4 =	sand.u32 $0x4000, s31;
	s1 =	sadd.s32 s1, s30  }
0xc8: {  	s0 =	sor.u32 s4, s0;
	s1 =	sshll.u32 s1, $0x11  }
0xc9: {  	s0 =	sor.u32 s1, s0  }
0xca: {  	s0 =	sadd.s32 $0x8F2B, s0  }
0xcb: {  	[sflag:s0] =	ssyncadd.remote.s32 $0x1  }
0xcc: {  	_ =	sfence.sel $0xFFFF  }
0xcd: {  	[dreg:$0x0] =	wrdreg $0xFFFFFFFF;
	(pc) =	sbr.abs _section_cstart, $3  }
0xce: {  	[dreg:$0x1] =	wrdreg $0xFFFFFFFF  }
0xcf: {  	_ =	task.clear_ibuf [dreg:s22], $0x2FFFF;
	_ =	strace $0x9FFFFFFF  }
0xd0: {  	(tm) =	ssettm $0x7FFFFFFF  }
0xd1: {  	_ =	shalt  }
tec
execute0_lowered:
.L_overlay_start_1:
0x0: {  	(tag) =	ssettag $0x1  }
0x1: {  	s1 =	srdreg.scid  }
0x2: {  	s0 =	stileid.u32;
	s5 =	rddreg [dreg:$0x0];
	s2 =	simm.s32 $0x0  }
0x3: {  	s4 =	sand.u32 $0x1, s1;
	s30 =	sshll.u32 s0, $0x1;
	s9 =	smul.u32 $0x2800, s0  }
0x4: {  	s1 =	rddreg [dreg:$0x1];
	s3 =	sor.u32 s4, s30;
	s11 =	smul.u32 $0x1400, s4  }
0x5: {  	[smem:$0x7FF] =	sst s2;
	s8 =	ssub.s32 $0x2, s4;
	s6 =	smul.u32 $0x1400, s3  }
0x6: {  	_ =	strace $0x8000004A;
	s7 =	smul.u32 $0x500, s3;
	s10 =	sshrl.u32 s8, $0x1  }
0x7: {  	s3 =	sadd.s32 $0x86400, s5;
	s31 =	ssub.s32 s8, s10;
	s6 =	sshrl.u32 s6, $0x3  }
0x8: {  	s8 =	simm.s32 $0x1;
	s10 =	simm.s32 $0x0;
	s6 =	sadd.s32 s6, s5  }
0x9: {  	s5 =	sadd.s32 s7, s5;
	s7 =	sadd.s32 s11, s9;
	s9 =	simm.s32 $0x1400  }
0xa: {  	vm0 =	vmxor vm0, vm0;
	v0 =	vimm.f32 $1.000000000e+00;
	s4 =	sadd.s32 $0x81400, s6;
	s5 =	sadd.s32 $0x86A00, s5;
	s6 =	smax.u32 s31, $0x1  }
.LBB2_1:
0xb: {  	[tilespmem:s2], [sflag:$0x1] =	stream.linear.gather [hbm4b:s4+s2], $0x1400, $0x38;
	[tilespmem:$0x3C00] =	vst v63  }
0xc: {  	_ =	swait.ge [sflag:s8], $0x1400  }
0xd: {  	[sflag:s8] =	ssyncset.done $0x0  }
0xe: {  	[sflag:s8] =	ssyncadd.s32 $0xFFFFEC00  }
0xf: {  	[tilespmem:s9], [sflag:$0x1] =	stream.linear.gather [hbm4b:s3+s2], $0x2800, $0x38;
	[tilespmem:$0x3C00] =	vst v63  }
0x10: {  	_ =	swait.ge [sflag:s8], $0x2800  }
0x11: {  	s13 =	sand.u32 $0x1FF0, s2;
	[sflag:s8] =	ssyncset.done $0x0  }
0x12: {  	s12 =	simm.s32 $0x10;
	s11 =	simm.s32 $0x0;
	[sflag:s8] =	ssyncadd.s32 $0xFFFFD800  }
.LBB2_2:
0x13: {  	p0 =	sne.s32 s12, $0x13F0;
	v1 =	vld [tilespmem:s13+$0x0];
	s13 =	sadd.s32 s11, s7;
	s11 =	smov.u32 s12  }
0x14: {  	vm1 =	vmmov vm0;
	p1 =	slt.u32 s13, $0x27100  }
0x15: {  	vm1 =	vmneg @p1 vm1;
	_ =	sdelay $0x1  }
.Ltmp0:
0x16: {  	(pc) =	sbr.rel @p0 .LBB2_2-.Ltmp0, $2  }
0x17: {  	_ =	sdelay $0x2  }
0x18: {  	s12 =	sadd.s32 $0x10, s12;
	s13 =	sand.u32 $0x1FF0, s11;
	[tilespmem:v1+s9+$0x0] =	vst.idx.add.f32.msk vm1, v0  }
0x19: {  	v1 =	vld [tilespmem:s13+$0x0];
	s11 =	sadd.s32 s11, s7  }
0x1a: {  	vm1 =	vmmov vm0;
	p0 =	slt.u32 s11, $0x27100  }
0x1b: {  	vm1 =	vmneg @p0 vm1;
	_ =	sdelay $0x3  }
0x1c: {  	s10 =	sadd.s32 $0x1, s10  }
0x1d: {  	p0 =	sne.s32 s10, s6  }
.Ltmp1:
0x1e: {  	[tilespmem:v1+s9+$0x0] =	vst.idx.add.f32.msk vm1, v0;
	(pc) =	sbr.rel @p0 .LBB2_1-.Ltmp1, $4  }
0x1f: {  	[hbm4b:s5+s2] =	stream.linear.scatter [tilespmem:s9], [sflag:$0x1], $0x2800, $0x38;
	[tilespmem:$0x3C00] =	vst v63  }
0x20: {  	_ =	swait.ge [sflag:s8], $0x2800  }
0x21: {  	[sflag:s8] =	ssyncset.done $0x0  }
0x22: {  	[sflag:s8] =	ssyncadd.s32 $0xFFFFD800  }
0x23: {  	_ =	sfence.sel $0x180000  }
0x24: {  	[bflag:$0x0] =	sbarrier.arrive $0xFFFF  }
0x25: {  	p0 =	sne.s32 s0, $0x0;
	_ =	strace $0x9000004A  }
0x26: {  	s0 =	sadd.s32 @!p0 $0x100000, s1;
	[bflag:$0x2] =	sbarrier.arrive $0xFFFF  }
0x27: {  	[sflag:s0] =	ssyncadd.tile.s32 @!p0 $0x1;
	_ =	shalt  }
.Lfunc_end2:
_tile_overlayer_lowered:
.L_overlay_start_2:
0x28: {  	(tag) =	ssettag $0x2  }
0x29: {  	s0 =	rddreg [dreg:$0x0];
	s2 =	stileid.u32  }
0x2a: {  	s1 =	rddreg [dreg:$0x1];
	p0 =	sne.s32 s2, $0x0  }
0x2b: {  	s3 =	rddreg [dreg:$0x2];
	[bflag:$0x3] =	sbarrier.arrive $0xFFFF;
	s2 =	simm.s32 @!p0 $0x1C01  }
0x2c: {  	[timem:s3], [sflag:s2] =	dma.local @!p0 [hbm:s0], s1  }
0x2d: {  	s0 =	simm.s32 @!p0 $0x1  }
0x2e: {  	_ =	swait.ge @!p0 [sflag:s0], s1  }
0x2f: {  	s1 =	ssub.s32 @!p0 $0x0, s1;
	[sflag:s0] =	ssyncset.done @!p0 $0x0  }
0x30: {  	[sflag:s0] =	ssyncadd.s32 @!p0 s1  }
0x31: {  	[bflag:$0x3] =	sbarrier.arrive $0xFFFF  }
0x32: {  	_ =	shalt  }

// kernel: kernel.14.cloned.1.call-start
scs
__scs_entry_jumppad:
0x0: {  	(pc) =	sbr.rel $0x88, $3  }
0x1: {  	(tag) =	ssettag $0x0;
	lr =	simm.s32 $0x1  }
0x2: {  	[smem:$0x3F95] =	sst lr;
	_ =	strace $0xD0000000  }
0x3: {  	_ = 	snop  }
0x4: {  	_ = 	snop  }
0x5: {  	_ = 	snop  }
0x6: {  	_ = 	snop  }
0x7: {  	_ = 	snop  }
__scs_overlays_trampoline_lowered:
0x8: {  	[smem:$0x3FA4] =	sst s0  }
0x9: {  	[smem:$0x3FA5] =	sst s1  }
0xa: {  	[smem:$0x3FA6] =	sst s2  }
0xb: {  	[smem:$0x3FA7] =	sst s3  }
0xc: {  	[smem:$0x3FA8] =	sst s4  }
0xd: {  	[smem:$0x3FA9] =	sst s5  }
0xe: {  	[smem:$0x3FAA] =	sst s6  }
0xf: {  	[smem:$0x3FAB] =	sst s7  }
0x10: {  	[smem:$0x3FAC] =	sst s8  }
0x11: {  	[smem:$0x3FAD] =	sst s9;
	s0 =	simm.s32 @!p0 $0x0  }
0x12: {  	s1 =	sld [smem:$0x3F93];
	s0 =	simm.s32 @p0 $0x1  }
0x13: {  	[smem:$0x3FAE] =	sst s0;
	s0 =	simm.s32 @!p1 $0x0  }
0x14: {  	s2 =	sld [smem:$0x3F92];
	s0 =	simm.s32 @p1 $0x1  }
0x15: {  	[smem:$0x3FAF] =	sst s0;
	s0 =	simm.s32 @!p2 $0x0  }
0x16: {  	s3 =	sld [smem:$0x3FDB];
	s0 =	simm.s32 @p2 $0x1  }
0x17: {  	s4 =	simm.s32 $0x1BF5;
	[smem:$0x3FB1] =	sst s0  }
0x18: {  	s0 =	sld [smem:$0x3F94];
	_ =	swait.ge [sflag:s4], $0x0  }
0x19: {  	s7 =	sld [smem:$0x3F95]  }
0x1a: {  	s8 =	sadd.s32 $0xFFFFE003, lr  }
0x1b: {  	s9 =	sadd.s32 $0xFFFFFEF7, lr;
	s5 =	simm.s32 $0xFFFFFFFF;
	p2 =	slt.u32 s8, $0xFFFFF086  }
0x1c: {  	p1 =	slt.u32 s9, $0xF7A;
	s5 =	simm.s32 @!p2 $0x0  }
0x1d: {  	s5 =	simm.s32 @p1 $0x1;
	p0 =	seq.s32 s7, s2  }
0x1e: {  	s7 =	smul.u32 @!p0 $0xF7A, s2;
	p2 =	seq.s32 @!p0 s5, $0x0  }
0x1f: {  	s9 =	smul.u32 $0xF7A, s1;
	s8 =	simm.s32 @!p0 $0x1BF5;
	p2 =	por !p2, p0  }
0x20: {  	[sflag:s8] =	ssyncset.s32 @!p0 $0xFFFFF086;
	s6 =	sadd.s32 @!p0 s3, s7;
	s7 =	simm.s32 @!p0 $0x108  }
0x21: {  	s3 =	sadd.s32 s3, s9;
	s6 =	sadd.s32 @!p0 $0x88, s6;
	s7 =	simm.s32 @p2 $0x1082  }
0x22: {  	[simem:s7], [sflag:s8] =	dma.local @!p0 [hbm:s6], $0xF7A  }
0x23: {  	s9 =	sor.u32 $0xD0000000, s2;
	s6 =	simm.s32 $0x108;
	_ =	swait.ge @!p0 [sflag:s8], $0x0  }
0x24: {  	s3 =	sadd.s32 $0x88, s3;
	s6 =	simm.s32 @!p1 $0x1082;
	[sflag:s4] =	ssyncset.s32 $0xFFFFF086  }
0x25: {  	[simem:s6], [sflag:s4] =	dma.local [hbm:s3], $0xF7A  }
0x26: {  	[smem:$0x3F95] =	sst s1;
	(tag) =	ssettag s2;
	_ =	strace s9  }
0x27: {  	s1 =	sld [smem:$0x3FA5]  }
0x28: {  	s2 =	sld [smem:$0x3FA6]  }
0x29: {  	s4 =	sld [smem:$0x3FA8]  }
0x2a: {  	p0 =	seq.s32 s5, $0x0;
	s5 =	sld [smem:$0x3FA9]  }
0x2b: {  	s6 =	sld [smem:$0x3FAA]  }
0x2c: {  	s7 =	sld [smem:$0x3FAB]  }
0x2d: {  	s3 =	simm.s32 $0x108;
	s8 =	sld [smem:$0x3FAC]  }
0x2e: {  	s3 =	simm.s32 @!p0 $0x1082;
	s9 =	sld [smem:$0x3FAD]  }
0x2f: {  	lr =	sadd.s32 s0, s3;
	s0 =	sld [smem:$0x3FA4]  }
0x30: {  	s3 =	sld [smem:$0x3FA7]  }
0x31: {  	[smem:$0x3FB0] =	sst s10  }
0x32: {  	s10 =	sld [smem:$0x3FAE];
	_ =	sdelay $0x3  }
0x33: {  	p0 =	seq.s32 s10, $0x1;
	s10 =	sld [smem:$0x3FB0];
	_ =	sdelay $0x3  }
0x34: {  	[smem:$0x3FB0] =	sst s10  }
0x35: {  	s10 =	sld [smem:$0x3FAF];
	_ =	sdelay $0x3  }
0x36: {  	p1 =	seq.s32 s10, $0x1;
	s10 =	sld [smem:$0x3FB0];
	_ =	sdelay $0x3  }
0x37: {  	[smem:$0x3FB0] =	sst s10  }
0x38: {  	s10 =	sld [smem:$0x3FB1]  }
0x39: {  	_ = 	snop;
	(pc) =	sbr.ind lr, $3  }
0x3a: {  	_ = 	snop  }
0x3b: {  	_ = 	snop  }
0x3c: {  	p2 =	seq.s32 s10, $0x1;
	s10 =	sld [smem:$0x3FB0]  }
0x3d: {  	_ =	shalt  }
0x3e: {  	_ =	shalt  }
0x3f: {  	_ =	shalt  }
0x40: {  	_ =	shalt  }
0x41: {  	_ =	shalt  }
0x42: {  	_ =	shalt  }
0x43: {  	_ =	shalt  }
0x44: {  	_ =	shalt  }
0x45: {  	_ =	shalt  }
0x46: {  	_ =	shalt  }
0x47: {  	_ =	shalt  }
0x48: {  	_ =	shalt  }
0x49: {  	_ =	shalt  }
0x4a: {  	_ =	shalt  }
0x4b: {  	_ =	shalt  }
0x4c: {  	_ =	shalt  }
0x4d: {  	_ =	shalt  }
0x4e: {  	_ =	shalt  }
0x4f: {  	_ =	shalt  }
0x50: {  	_ =	shalt  }
0x51: {  	_ =	shalt  }
0x52: {  	_ =	shalt  }
0x53: {  	_ =	shalt  }
0x54: {  	_ =	shalt  }
0x55: {  	_ =	shalt  }
0x56: {  	_ =	shalt  }
0x57: {  	_ =	shalt  }
0x58: {  	_ =	shalt  }
0x59: {  	_ =	shalt  }
0x5a: {  	_ =	shalt  }
0x5b: {  	_ =	shalt  }
0x5c: {  	_ =	shalt  }
0x5d: {  	_ =	shalt  }
0x5e: {  	_ =	shalt  }
0x5f: {  	_ =	shalt  }
0x60: {  	_ =	shalt  }
0x61: {  	_ =	shalt  }
0x62: {  	_ =	shalt  }
0x63: {  	_ =	shalt  }
0x64: {  	_ =	shalt  }
0x65: {  	_ =	shalt  }
0x66: {  	_ =	shalt  }
0x67: {  	_ =	shalt  }
0x68: {  	_ =	shalt  }
0x69: {  	_ =	shalt  }
0x6a: {  	_ =	shalt  }
0x6b: {  	_ =	shalt  }
0x6c: {  	_ =	shalt  }
0x6d: {  	_ =	shalt  }
0x6e: {  	_ =	shalt  }
0x6f: {  	_ =	shalt  }
0x70: {  	_ =	shalt  }
0x71: {  	_ =	shalt  }
0x72: {  	_ =	shalt  }
0x73: {  	_ =	shalt  }
0x74: {  	_ =	shalt  }
0x75: {  	_ =	shalt  }
0x76: {  	_ =	shalt  }
0x77: {  	_ =	shalt  }
0x78: {  	_ =	shalt  }
0x79: {  	_ =	shalt  }
0x7a: {  	_ =	shalt  }
0x7b: {  	_ =	shalt  }
0x7c: {  	_ =	shalt  }
0x7d: {  	_ =	shalt  }
0x7e: {  	_ =	shalt  }
0x7f: {  	_ =	shalt  }
0x80: {  	_ =	shalt  }
0x81: {  	_ =	shalt  }
0x82: {  	_ =	shalt  }
0x83: {  	_ =	shalt  }
0x84: {  	_ =	shalt  }
0x85: {  	_ =	shalt  }
0x86: {  	_ =	shalt  }
0x87: {  	_ =	shalt  }
.Lfunc_end0:
.L_simem_size_0:
called_computation.2_lowered:
.L_overlay_start_0:
0x88: {  	s2 =	sld [smem:$0x3FD9]  }
0x89: {  	s3 =	sld [smem:$0x3FFE];
	_ =	sdelay $0x1  }
0x8a: {  	s1 =	srdreg.scid  }
0x8b: {  	s0 =	sand.u32 $0x1, s1  }
0x8c: {  	s16 =	sshll.u32 s0, $0xA;
	s2 =	sadd.s32 s3, s2  }
0x8d: {  	s2 =	sadd.s32 s2, s16  }
0x8e: {  	[smem:$0x3FBC] =	sst s2  }
0x8f: {  	_ = 	snop  }
0x90: {  	(tm) =	ssettm $0x1  }
0x91: {  	s17 =	sld [smem:$0x3FFB];
	_ =	sdelay $0x3  }
0x92: {  	_ =	strace s17  }
0x93: {  	s2 =	sld [smem:$0x3FFC];
	_ =	sdelay $0x3  }
0x94: {  	_ =	strace s2  }
0x95: {  	s2 =	sld [smem:$0x3FFD];
	_ =	sdelay $0x3  }
0x96: {  	_ =	strace s2  }
0x97: {  	_ =	strace $0x8FFFFFFF  }
0x98: {  	s18 =	sld [smem:$0x3FDB];
	_ =	sdelay $0x1  }
0x99: {  	s19 =	simm.s32 $_scs_section_size  }
0x9a: {  	s4 =	simm.s32 $_size__tile_overlayer_lowered;
	s5 =	simm.s32 $_tile_overlayer_lowered  }
0x9b: {  	s22 =	simm.s32 $0x1BFF;
	s21 =	sshll.u32 s5, $0x1;
	s2 =	sadd.s32 s19, s18  }
0x9c: {  	s6 =	simm.s32 $0x0;
	s20 =	sshll.u32 s4, $0x1;
	s4 =	sadd.s32 s21, s2  }
0x9d: {  	[timem:s6], [sflag:s22] =	dma.local [hbm:s4], s20  }
0x9e: {  	_ =	swait.ge [sflag:s22], s20  }
0x9f: {  	s3 =	ssub.s32 $0x0, s20;
	[sflag:s22] =	ssyncset.done $0x0  }
0xa0: {  	[sflag:s22] =	ssyncadd.s32 s3;
	_ =	sdelay $0x1  }
0xa1: {  	s23 =	simm.s32 $0x1B8B  }
0xa2: {  	_ =	swait.ge [sflag:s23], $0x1  }
0xa3: {  	[sflag:s23] =	ssyncset.done $0x0  }
0xa4: {  	s25 =	simm.s32 $0x1B8E;
	s24 =	sld [smem:$0x3FFE];
	[sflag:s23] =	ssyncadd.s32 $0xFFFFFFFF  }
0xa5: {  	s26 =	simm.s32 $execute0_lowered;
	[smem:$0x3FD2] =	sst s25  }
0xa6: {  	s4 =	sshll.u32 s26, $0x1;
	_ =	strace $0x8000004C;
	[dreg:$0x1] =	wrdreg $0xFFFFFFFF  }
0xa7: {  	s28 =	simm.s32 $_size_execute0_lowered;
	s2 =	sadd.s32 s2, s4;
	[dreg:$0x0] =	wrdreg $0x0  }
0xa8: {  	s4 =	sshll.u32 s28, $0x1;
	[dreg:$0x2] =	wrdreg s2  }
0xa9: {  	[dreg:$0x3] =	wrdreg s4  }
0xaa: {  	[dreg:$0x4] =	wrdreg $0xC0  }
0xab: {  	_ =	task [dreg:s6], $0x5FFFF  }
0xac: {  	[dreg:$0x1] =	wrdreg $0xFFFFFFFF  }
0xad: {  	[dreg:$0x0] =	wrdreg $0x60  }
0xae: {  	[dreg:$0x2] =	wrdreg s24  }
0xaf: {  	[dreg:$0x3] =	wrdreg $0xA8000  }
0xb0: {  	[dreg:$0x4] =	wrdreg $0x9  }
0xb1: {  	_ =	task.clear_ibuf [dreg:s6], $0x5FFFF;
	_ =	strace $0x9000004C  }
0xb2: {  	s29 =	simm.s32 $0x9;
	_ =	strace $0x8000004E  }
0xb3: {  	_ =	swait.ge [sflag:s29], $0x1  }
0xb4: {  	[sflag:s29] =	ssyncadd.s32 $0xFFFFFFFF  }
0xb5: {  	_ =	strace $0x9000004E  }
0xb6: {  	_ =	sfence  }
0xb7: {  	s30 =	sld [smem:$0x0];
	_ =	sdelay $0x2  }
0xb8: {  	s31 =	sshll.u32 s1, $0xD;
	s1 =	sshrl.u32 s1, $0x2  }
0xb9: {  	s3 =	sand.u32 $0x4000, s31;
	s1 =	sadd.s32 s1, s30  }
0xba: {  	s0 =	sor.u32 s3, s0;
	s1 =	sshll.u32 s1, $0x11  }
0xbb: {  	s0 =	sor.u32 s1, s0  }
0xbc: {  	s0 =	sadd.s32 $0x8F2B, s0  }
0xbd: {  	[sflag:s0] =	ssyncadd.remote.s32 $0x1  }
0xbe: {  	_ =	sfence.sel $0xFFFF  }
0xbf: {  	[dreg:$0x0] =	wrdreg $0xFFFFFFFF;
	(pc) =	sbr.abs _section_cstart, $3  }
0xc0: {  	[dreg:$0x1] =	wrdreg $0xFFFFFFFF  }
0xc1: {  	_ =	task.clear_ibuf [dreg:s6], $0x2FFFF;
	_ =	strace $0x9FFFFFFF  }
0xc2: {  	(tm) =	ssettm $0x7FFFFFFF  }
0xc3: {  	_ =	shalt  }
tec
execute0_lowered:
.L_overlay_start_1:
0x0: {  	(tag) =	ssettag $0x1  }
0x1: {  	s7 =	rddreg [dreg:$0x0];
	s1 =	srdreg.scid  }
0x2: {  	s0 =	stileid.u32;
	s2 =	rddreg [dreg:$0x1]  }
0x3: {  	s3 =	simm.s32 $0x0;
	s17 =	simm.s32 $0x7D;
	s18 =	simm.s32 $0x2800  }
0x4: {  	s19 =	simm.s32 $0x80;
	s20 =	simm.s32 $0x6800;
	s21 =	simm.s32 $0x1  }
0x5: {  	s22 =	simm.s32 $0x2;
	s23 =	simm.s32 $0x3;
	s28 =	simm.s32 $0x0  }
0x6: {  	s5 =	sand.u32 $0x1, s1;
	s1 =	rddreg [dreg:$0x2];
	s8 =	smul.u32 $0x13800, s0  }
0x7: {  	s4 =	sshll.u32 s0, $0x1;
	[smem:$0x7FF] =	sst s3;
	s12 =	smul.u32 $0x4E000, s0  }
0x8: {  	s13 =	sadd.s32 $0x90A00, s7;
	s26 =	sshll.u32 s0, $0x6;
	s16 =	sadd.s32 $0x138000, s2  }
0x9: {  	p0 =	sne.s32 s0, $0xF;
	s4 =	sor.u32 s5, s4;
	s29 =	smul.u32 $0x138800, s5  }
0xa: {  	_ =	strace $0x8000004D;
	s24 =	ssub.s32 $0x2, s5;
	s6 =	smul.u32 $0x280, s4  }
0xb: {  	s4 =	sadd.s32 $0x33200, s7;
	s10 =	sshrl.u32 s8, $0x3;
	s11 =	sshrl.u32 s24, $0x1  }
0xc: {  	s25 =	sshrl.u32 s12, $0x2;
	s10 =	sadd.s32 s10, s7;
	s14 =	ssub.s32 s24, s11  }
0xd: {  	s15 =	sadd.s32 s25, s2;
	s30 =	sadd.s32 s8, s29;
	s31 =	sshrl.u32 s29, $0x3  }
0xe: {  	s24 =	simm.s32 $0x4;
	s25 =	simm.s32 $0x2700;
	s9 =	sadd.s32 s6, s7  }
0xf: {  	s5 =	sadd.s32 $0xC000, s10;
	s6 =	sor.u32 $0x1C05, s26;
	s7 =	sadd.s32 $0x33000, s7  }
0x10: {  	s10 =	sshrl.u32 s30, $0x3;
	s11 =	sadd.s32 s13, s31;
	s12 =	smax.u32 s14, $0x1  }
0x11: {  	s14 =	simm.s32 $0x5;
	s26 =	simm.s32 $0x2780;
	s8 =	sadd.s32 $0x2000, s9  }
0x12: {  	s9 =	sadd.s32 $0x7000, s9;
	s10 =	sadd.s32 s13, s10;
	s11 =	sadd.s32 $0x27000, s11  }
0x13: {  	s13 =	sshrl.u32 s15, $0x3;
	s15 =	sshrl.u32 @!p0 s16, $0x3;
	s16 =	simm.s32 $0x1400  }
.LBB2_1:
0x14: {  	[spmem:s13], [sflag:s6] =	dma.local [hbm:s5], $0x2700  }
0x15: {  	_ =	swait.ge [sflag:s14], $0x2700  }
0x16: {  	[sflag:s14] =	ssyncset.done $0x0  }
0x17: {  	s29 =	simm.s32 @!p0 $0x5;
	[sflag:s14] =	ssyncadd.s32 $0xFFFFD900  }
0x18: {  	[spmem:s15], [sflag:s6] =	dma.local @!p0 [hbm:s7], $0x100  }
0x19: {  	_ =	swait.ge @!p0 [sflag:s29], $0x100  }
0x1a: {  	[sflag:s29] =	ssyncset.done @!p0 $0x0  }
0x1b: {  	[sflag:s29] =	ssyncadd.s32 @!p0 $0xFFFFFF00  }
0x1c: {  	[tilespmem:s3], [sflag:$0x5] =	stream.linear.gather [hbm4b:s8+s3], $0x1400, $0x38;
	[tilespmem:$0x1E080] =	vst v63  }
0x1d: {  	_ =	swait.ge [sflag:s14], $0x1400  }
0x1e: {  	[sflag:s14] =	ssyncset.done $0x0  }
0x1f: {  	[sflag:s14] =	ssyncadd.s32 $0xFFFFEC00  }
0x20: {  	[tilespmem:s16], [sflag:$0x5] =	stream.linear.gather [hbm4b:s9+s3], $0x1400, $0x38;
	[tilespmem:$0x1E080] =	vst v63  }
0x21: {  	_ =	swait.ge [sflag:s14], $0x1400  }
0x22: {  	[sflag:s14] =	ssyncset.done $0x0  }
0x23: {  	[sflag:s14] =	ssyncadd.s32 $0xFFFFEC00  }
0x24: {  	[bflag:$0x0] =	sbarrier.arrive $0xFFFF  }
0x25: {  	[tilespmem:s18], [sflag:$0x1] =	stream.indirect.gather [hbm4b:s4+s17], $0x80, s3, s17, $0xb8;
	[tilespmem:$0x1E080] =	vst v63  }
0x26: {  	_ = 	snop  }
0x27: {  	[tilespmem:s20], [sflag:$0x2] =	stream.indirect.gather [hbm4b:s4+s17], $0x80, s19, s17, $0xb8;
	[tilespmem:$0x1E080] =	vst v63  }
0x28: {  	_ =	swait.ge [sflag:s21], $0x3E80  }
0x29: {  	[sflag:s21] =	ssyncset.done $0x0  }
0x2a: {  	s29 =	simm.s32 $0x1400;
	[sflag:s21] =	ssyncadd.s32 $0xFFFFC180  }
0x2b: {  	[spmem:s2] =	stream.indirect.scatter.add.f32 [tilespmem:s18], [sflag:$0x3], $0x80, s29, s17, $0xb8;
	[tilespmem:$0x1E080] =	vst v63  }
0x2c: {  	_ =	swait.ge [sflag:s22], $0x3E80  }
0x2d: {  	[sflag:s22] =	ssyncset.done $0x0  }
0x2e: {  	s29 =	simm.s32 $0x1480;
	[sflag:s22] =	ssyncadd.s32 $0xFFFFC180  }
0x2f: {  	[spmem:s2] =	stream.indirect.scatter.add.f32 [tilespmem:s20], [sflag:$0x4], $0x80, s29, s17, $0xb8;
	[tilespmem:$0x1E080] =	vst v63  }
0x30: {  	_ =	swait.ge [sflag:s23], $0x3E80  }
0x31: {  	[sflag:s23] =	ssyncset.done $0x0  }
0x32: {  	s29 =	simm.s32 $0x100;
	[sflag:s23] =	ssyncadd.s32 $0xFFFFC180  }
0x33: {  	[tilespmem:s18], [sflag:$0x1] =	stream.indirect.gather [hbm4b:s4+s17], $0x80, s29, s17, $0xb8;
	[tilespmem:$0x1E080] =	vst v63  }
0x34: {  	_ =	swait.ge [sflag:s24], $0x3E80  }
0x35: {  	[sflag:s24] =	ssyncset.done $0x0  }
0x36: {  	s30 =	simm.s32 $0x180;
	s29 =	simm.s32 $0x400;
	[sflag:s24] =	ssyncadd.s32 $0xFFFFC180  }
.LBB2_2:
0x37: {  	[tilespmem:s20], [sflag:$0x2] =	stream.indirect.gather [hbm4b:s4+s17], $0x80, s30, s17, $0xb8;
	[tilespmem:$0x1E080] =	vst v63  }
0x38: {  	s30 =	smov.u32 s29  }
0x39: {  	p1 =	sne.s32 s29, $0x4800;
	s29 =	sadd.s32 $0x400, s29;
	_ =	swait.ge [sflag:s21], $0x3E80  }
0x3a: {  	s30 =	sshra.s32 s30, $0x2;
	[sflag:s21] =	ssyncset.done $0x0  }
0x3b: {  	s31 =	sadd.s32 $0x1400, s30;
	[sflag:s21] =	ssyncadd.s32 $0xFFFFC180  }
0x3c: {  	[spmem:s2] =	stream.indirect.scatter.add.f32 [tilespmem:s18], [sflag:$0x3], $0x80, s31, s17, $0xb8;
	[tilespmem:$0x1E080] =	vst v63  }
0x3d: {  	_ =	swait.ge [sflag:s22], $0x3E80  }
0x3e: {  	[sflag:s22] =	ssyncset.done $0x0  }
0x3f: {  	s31 =	sadd.s32 $0x1480, s30;
	[sflag:s22] =	ssyncadd.s32 $0xFFFFC180  }
0x40: {  	[spmem:s2] =	stream.indirect.scatter.add.f32 [tilespmem:s20], [sflag:$0x4], $0x80, s31, s17, $0xb8;
	[tilespmem:$0x1E080] =	vst v63  }
0x41: {  	_ =	swait.ge [sflag:s23], $0x3E80  }
0x42: {  	[sflag:s23] =	ssyncset.done $0x0  }
.Ltmp0:
0x43: {  	s31 =	sadd.s32 $0x100, s30;
	[sflag:s23] =	ssyncadd.s32 $0xFFFFC180;
	(pc) =	sbr.rel @p1 .LBB2_2-.Ltmp0, $4  }
0x44: {  	[tilespmem:s18], [sflag:$0x1] =	stream.indirect.gather [hbm4b:s4+s17], $0x80, s31, s17, $0xb8;
	[tilespmem:$0x1E080] =	vst v63  }
0x45: {  	_ =	swait.ge [sflag:s24], $0x3E80  }
0x46: {  	[sflag:s24] =	ssyncset.done $0x0  }
0x47: {  	s30 =	sadd.s32 $0x180, s30;
	[sflag:s24] =	ssyncadd.s32 $0xFFFFC180  }
0x48: {  	[tilespmem:s20], [sflag:$0x2] =	stream.indirect.gather [hbm4b:s4+s17], $0x80, s30, s17, $0xb8;
	[tilespmem:$0x1E080] =	vst v63  }
0x49: {  	_ =	swait.ge [sflag:s21], $0x3E80  }
0x4a: {  	[sflag:s21] =	ssyncset.done $0x0  }
0x4b: {  	[sflag:s21] =	ssyncadd.s32 $0xFFFFC180  }
0x4c: {  	[spmem:s2] =	stream.indirect.scatter.add.f32 [tilespmem:s18], [sflag:$0x3], $0x80, s25, s17, $0xb8;
	[tilespmem:$0x1E080] =	vst v63  }
0x4d: {  	_ =	swait.ge [sflag:s22], $0x3E80  }
0x4e: {  	[sflag:s22] =	ssyncset.done $0x0  }
0x4f: {  	[sflag:s22] =	ssyncadd.s32 $0xFFFFC180  }
0x50: {  	[spmem:s2] =	stream.indirect.scatter.add.f32 [tilespmem:s20], [sflag:$0x4], $0x80, s26, s17, $0xb8;
	[tilespmem:$0x1E080] =	vst v63  }
0x51: {  	_ =	swait.ge [sflag:s23], $0x3E80  }
0x52: {  	[sflag:s23] =	ssyncset.done $0x0  }
0x53: {  	[sflag:s23] =	ssyncadd.s32 $0xFFFFC180  }
0x54: {  	_ =	swait.ge [sflag:s24], $0x3E80  }
0x55: {  	[sflag:s24] =	ssyncset.done $0x0  }
0x56: {  	[sflag:s24] =	ssyncadd.s32 $0xFFFFC180  }
0x57: {  	[bflag:$0x0] =	sbarrier.arrive $0xFFFF  }
0x58: {  	[hbm:s10], [sflag:s6] =	dma.local [spmem:s13], $0x2700  }
0x59: {  	s28 =	sadd.s32 $0x1, s28;
	_ =	swait.ge [sflag:s14], $0x2700  }
0x5a: {  	p1 =	sne.s32 s28, s12;
	[sflag:s14] =	ssyncset.done $0x0  }
.Ltmp1:
0x5b: {  	s29 =	simm.s32 @!p0 $0x5;
	[sflag:s14] =	ssyncadd.s32 $0xFFFFD900;
	(pc) =	sbr.rel @p1 .LBB2_1-.Ltmp1, $4  }
0x5c: {  	[hbm:s11], [sflag:s6] =	dma.local @!p0 [spmem:s15], $0x100  }
0x5d: {  	_ =	swait.ge @!p0 [sflag:s29], $0x100  }
0x5e: {  	[sflag:s29] =	ssyncset.done @!p0 $0x0  }
0x5f: {  	[sflag:s29] =	ssyncadd.s32 @!p0 $0xFFFFFF00  }
0x60: {  	_ =	sfence.sel $0x180000  }
0x61: {  	[bflag:$0x0] =	sbarrier.arrive $0xFFFF  }
0x62: {  	p0 =	sne.s32 s0, $0x0;
	_ =	strace $0x9000004D  }
0x63: {  	s0 =	sadd.s32 @!p0 $0x100000, s1;
	[bflag:$0x2] =	sbarrier.arrive $0xFFFF  }
0x64: {  	[sflag:s0] =	ssyncadd.tile.s32 @!p0 $0x1;
	_ =	shalt  }
.Lfunc_end2:
_tile_overlayer_lowered:
.L_overlay_start_2:
0x65: {  	(tag) =	ssettag $0x2  }
0x66: {  	s0 =	rddreg [dreg:$0x0];
	s2 =	stileid.u32  }
0x67: {  	s1 =	rddreg [dreg:$0x1];
	p0 =	sne.s32 s2, $0x0  }
0x68: {  	s3 =	rddreg [dreg:$0x2];
	[bflag:$0x3] =	sbarrier.arrive $0xFFFF;
	s2 =	simm.s32 @!p0 $0x1C05  }
0x69: {  	[timem:s3], [sflag:s2] =	dma.local @!p0 [hbm:s0], s1  }
0x6a: {  	s0 =	simm.s32 @!p0 $0x5  }
0x6b: {  	_ =	swait.ge @!p0 [sflag:s0], s1  }
0x6c: {  	s1 =	ssub.s32 @!p0 $0x0, s1;
	[sflag:s0] =	ssyncset.done @!p0 $0x0  }
0x6d: {  	[sflag:s0] =	ssyncadd.s32 @!p0 s1  }
0x6e: {  	[bflag:$0x3] =	sbarrier.arrive $0xFFFF  }
0x6f: {  	_ =	shalt  }

// kernel: kernel.17.cloned.1.call-start
scs
__scs_entry_jumppad:
0x0: {  	(pc) =	sbr.rel $0x88, $3  }
0x1: {  	(tag) =	ssettag $0x0;
	lr =	simm.s32 $0x1  }
0x2: {  	[smem:$0x3F95] =	sst lr;
	_ =	strace $0xD0000000  }
0x3: {  	_ = 	snop  }
0x4: {  	_ = 	snop  }
0x5: {  	_ = 	snop  }
0x6: {  	_ = 	snop  }
0x7: {  	_ = 	snop  }
__scs_overlays_trampoline_lowered:
0x8: {  	[smem:$0x3FA4] =	sst s0  }
0x9: {  	[smem:$0x3FA5] =	sst s1  }
0xa: {  	[smem:$0x3FA6] =	sst s2  }
0xb: {  	[smem:$0x3FA7] =	sst s3  }
0xc: {  	[smem:$0x3FA8] =	sst s4  }
0xd: {  	[smem:$0x3FA9] =	sst s5  }
0xe: {  	[smem:$0x3FAA] =	sst s6  }
0xf: {  	[smem:$0x3FAB] =	sst s7  }
0x10: {  	[smem:$0x3FAC] =	sst s8  }
0x11: {  	[smem:$0x3FAD] =	sst s9;
	s0 =	simm.s32 @!p0 $0x0  }
0x12: {  	s1 =	sld [smem:$0x3F93];
	s0 =	simm.s32 @p0 $0x1  }
0x13: {  	[smem:$0x3FAE] =	sst s0;
	s0 =	simm.s32 @!p1 $0x0  }
0x14: {  	s2 =	sld [smem:$0x3F92];
	s0 =	simm.s32 @p1 $0x1  }
0x15: {  	[smem:$0x3FAF] =	sst s0;
	s0 =	simm.s32 @!p2 $0x0  }
0x16: {  	s3 =	sld [smem:$0x3FDB];
	s0 =	simm.s32 @p2 $0x1  }
0x17: {  	s4 =	simm.s32 $0x1BF5;
	[smem:$0x3FB1] =	sst s0  }
0x18: {  	s0 =	sld [smem:$0x3F94];
	_ =	swait.ge [sflag:s4], $0x0  }
0x19: {  	s7 =	sld [smem:$0x3F95]  }
0x1a: {  	s8 =	sadd.s32 $0xFFFFE003, lr  }
0x1b: {  	s9 =	sadd.s32 $0xFFFFFEF7, lr;
	s5 =	simm.s32 $0xFFFFFFFF;
	p2 =	slt.u32 s8, $0xFFFFF086  }
0x1c: {  	p1 =	slt.u32 s9, $0xF7A;
	s5 =	simm.s32 @!p2 $0x0  }
0x1d: {  	s5 =	simm.s32 @p1 $0x1;
	p0 =	seq.s32 s7, s2  }
0x1e: {  	s7 =	smul.u32 @!p0 $0xF7A, s2;
	p2 =	seq.s32 @!p0 s5, $0x0  }
0x1f: {  	s9 =	smul.u32 $0xF7A, s1;
	s8 =	simm.s32 @!p0 $0x1BF5;
	p2 =	por !p2, p0  }
0x20: {  	[sflag:s8] =	ssyncset.s32 @!p0 $0xFFFFF086;
	s6 =	sadd.s32 @!p0 s3, s7;
	s7 =	simm.s32 @!p0 $0x108  }
0x21: {  	s3 =	sadd.s32 s3, s9;
	s6 =	sadd.s32 @!p0 $0x88, s6;
	s7 =	simm.s32 @p2 $0x1082  }
0x22: {  	[simem:s7], [sflag:s8] =	dma.local @!p0 [hbm:s6], $0xF7A  }
0x23: {  	s9 =	sor.u32 $0xD0000000, s2;
	s6 =	simm.s32 $0x108;
	_ =	swait.ge @!p0 [sflag:s8], $0x0  }
0x24: {  	s3 =	sadd.s32 $0x88, s3;
	s6 =	simm.s32 @!p1 $0x1082;
	[sflag:s4] =	ssyncset.s32 $0xFFFFF086  }
0x25: {  	[simem:s6], [sflag:s4] =	dma.local [hbm:s3], $0xF7A  }
0x26: {  	[smem:$0x3F95] =	sst s1;
	(tag) =	ssettag s2;
	_ =	strace s9  }
0x27: {  	s1 =	sld [smem:$0x3FA5]  }
0x28: {  	s2 =	sld [smem:$0x3FA6]  }
0x29: {  	s4 =	sld [smem:$0x3FA8]  }
0x2a: {  	p0 =	seq.s32 s5, $0x0;
	s5 =	sld [smem:$0x3FA9]  }
0x2b: {  	s6 =	sld [smem:$0x3FAA]  }
0x2c: {  	s7 =	sld [smem:$0x3FAB]  }
0x2d: {  	s3 =	simm.s32 $0x108;
	s8 =	sld [smem:$0x3FAC]  }
0x2e: {  	s3 =	simm.s32 @!p0 $0x1082;
	s9 =	sld [smem:$0x3FAD]  }
0x2f: {  	lr =	sadd.s32 s0, s3;
	s0 =	sld [smem:$0x3FA4]  }
0x30: {  	s3 =	sld [smem:$0x3FA7]  }
0x31: {  	[smem:$0x3FB0] =	sst s10  }
0x32: {  	s10 =	sld [smem:$0x3FAE];
	_ =	sdelay $0x3  }
0x33: {  	p0 =	seq.s32 s10, $0x1;
	s10 =	sld [smem:$0x3FB0];
	_ =	sdelay $0x3  }
0x34: {  	[smem:$0x3FB0] =	sst s10  }
0x35: {  	s10 =	sld [smem:$0x3FAF];
	_ =	sdelay $0x3  }
0x36: {  	p1 =	seq.s32 s10, $0x1;
	s10 =	sld [smem:$0x3FB0];
	_ =	sdelay $0x3  }
0x37: {  	[smem:$0x3FB0] =	sst s10  }
0x38: {  	s10 =	sld [smem:$0x3FB1]  }
0x39: {  	_ = 	snop;
	(pc) =	sbr.ind lr, $3  }
0x3a: {  	_ = 	snop  }
0x3b: {  	_ = 	snop  }
0x3c: {  	p2 =	seq.s32 s10, $0x1;
	s10 =	sld [smem:$0x3FB0]  }
0x3d: {  	_ =	shalt  }
0x3e: {  	_ =	shalt  }
0x3f: {  	_ =	shalt  }
0x40: {  	_ =	shalt  }
0x41: {  	_ =	shalt  }
0x42: {  	_ =	shalt  }
0x43: {  	_ =	shalt  }
0x44: {  	_ =	shalt  }
0x45: {  	_ =	shalt  }
0x46: {  	_ =	shalt  }
0x47: {  	_ =	shalt  }
0x48: {  	_ =	shalt  }
0x49: {  	_ =	shalt  }
0x4a: {  	_ =	shalt  }
0x4b: {  	_ =	shalt  }
0x4c: {  	_ =	shalt  }
0x4d: {  	_ =	shalt  }
0x4e: {  	_ =	shalt  }
0x4f: {  	_ =	shalt  }
0x50: {  	_ =	shalt  }
0x51: {  	_ =	shalt  }
0x52: {  	_ =	shalt  }
0x53: {  	_ =	shalt  }
0x54: {  	_ =	shalt  }
0x55: {  	_ =	shalt  }
0x56: {  	_ =	shalt  }
0x57: {  	_ =	shalt  }
0x58: {  	_ =	shalt  }
0x59: {  	_ =	shalt  }
0x5a: {  	_ =	shalt  }
0x5b: {  	_ =	shalt  }
0x5c: {  	_ =	shalt  }
0x5d: {  	_ =	shalt  }
0x5e: {  	_ =	shalt  }
0x5f: {  	_ =	shalt  }
0x60: {  	_ =	shalt  }
0x61: {  	_ =	shalt  }
0x62: {  	_ =	shalt  }
0x63: {  	_ =	shalt  }
0x64: {  	_ =	shalt  }
0x65: {  	_ =	shalt  }
0x66: {  	_ =	shalt  }
0x67: {  	_ =	shalt  }
0x68: {  	_ =	shalt  }
0x69: {  	_ =	shalt  }
0x6a: {  	_ =	shalt  }
0x6b: {  	_ =	shalt  }
0x6c: {  	_ =	shalt  }
0x6d: {  	_ =	shalt  }
0x6e: {  	_ =	shalt  }
0x6f: {  	_ =	shalt  }
0x70: {  	_ =	shalt  }
0x71: {  	_ =	shalt  }
0x72: {  	_ =	shalt  }
0x73: {  	_ =	shalt  }
0x74: {  	_ =	shalt  }
0x75: {  	_ =	shalt  }
0x76: {  	_ =	shalt  }
0x77: {  	_ =	shalt  }
0x78: {  	_ =	shalt  }
0x79: {  	_ =	shalt  }
0x7a: {  	_ =	shalt  }
0x7b: {  	_ =	shalt  }
0x7c: {  	_ =	shalt  }
0x7d: {  	_ =	shalt  }
0x7e: {  	_ =	shalt  }
0x7f: {  	_ =	shalt  }
0x80: {  	_ =	shalt  }
0x81: {  	_ =	shalt  }
0x82: {  	_ =	shalt  }
0x83: {  	_ =	shalt  }
0x84: {  	_ =	shalt  }
0x85: {  	_ =	shalt  }
0x86: {  	_ =	shalt  }
0x87: {  	_ =	shalt  }
.Lfunc_end0:
.L_simem_size_0:
called_computation.3_lowered:
.L_overlay_start_0:
0x88: {  	s2 =	sld [smem:$0x3FD9]  }
0x89: {  	s3 =	sld [smem:$0x3FFE];
	_ =	sdelay $0x1  }
0x8a: {  	s1 =	srdreg.scid  }
0x8b: {  	s0 =	sand.u32 $0x1, s1  }
0x8c: {  	s16 =	sshll.u32 s0, $0xA;
	s2 =	sadd.s32 s3, s2  }
0x8d: {  	s2 =	sadd.s32 s2, s16  }
0x8e: {  	[smem:$0x3FBC] =	sst s2  }
0x8f: {  	_ = 	snop  }
0x90: {  	(tm) =	ssettm $0x1  }
0x91: {  	s17 =	sld [smem:$0x3FFB];
	_ =	sdelay $0x3  }
0x92: {  	_ =	strace s17  }
0x93: {  	s2 =	sld [smem:$0x3FFC];
	_ =	sdelay $0x3  }
0x94: {  	_ =	strace s2  }
0x95: {  	s2 =	sld [smem:$0x3FFD];
	_ =	sdelay $0x3  }
0x96: {  	_ =	strace s2  }
0x97: {  	_ =	strace $0x8FFFFFFF  }
0x98: {  	s18 =	sld [smem:$0x3FDB];
	_ =	sdelay $0x1  }
0x99: {  	s19 =	simm.s32 $_scs_section_size  }
0x9a: {  	s4 =	simm.s32 $_size__tile_overlayer_lowered;
	s5 =	simm.s32 $_tile_overlayer_lowered  }
0x9b: {  	s22 =	simm.s32 $0x1BFF;
	s21 =	sshll.u32 s5, $0x1;
	s2 =	sadd.s32 s19, s18  }
0x9c: {  	s6 =	simm.s32 $0x0;
	s20 =	sshll.u32 s4, $0x1;
	s4 =	sadd.s32 s21, s2  }
0x9d: {  	[timem:s6], [sflag:s22] =	dma.local [hbm:s4], s20  }
0x9e: {  	_ =	swait.ge [sflag:s22], s20  }
0x9f: {  	s3 =	ssub.s32 $0x0, s20;
	[sflag:s22] =	ssyncset.done $0x0  }
0xa0: {  	[sflag:s22] =	ssyncadd.s32 s3;
	_ =	sdelay $0x1  }
0xa1: {  	s23 =	simm.s32 $0x1B8B  }
0xa2: {  	_ =	swait.ge [sflag:s23], $0x1  }
0xa3: {  	[sflag:s23] =	ssyncset.done $0x0  }
0xa4: {  	s25 =	simm.s32 $0x1B8E;
	s24 =	sld [smem:$0x3FFE];
	[sflag:s23] =	ssyncadd.s32 $0xFFFFFFFF  }
0xa5: {  	s26 =	simm.s32 $execute0_lowered;
	[smem:$0x3FD2] =	sst s25  }
0xa6: {  	s4 =	sshll.u32 s26, $0x1;
	_ =	strace $0x8000004F;
	[dreg:$0x1] =	wrdreg $0xFFFFFFFF  }
0xa7: {  	s28 =	simm.s32 $_size_execute0_lowered;
	s2 =	sadd.s32 s2, s4;
	[dreg:$0x0] =	wrdreg $0x0  }
0xa8: {  	s4 =	sshll.u32 s28, $0x1;
	[dreg:$0x2] =	wrdreg s2  }
0xa9: {  	[dreg:$0x3] =	wrdreg s4  }
0xaa: {  	[dreg:$0x4] =	wrdreg $0xC0  }
0xab: {  	_ =	task [dreg:s6], $0x5FFFF  }
0xac: {  	[dreg:$0x1] =	wrdreg $0xFFFFFFFF  }
0xad: {  	[dreg:$0x0] =	wrdreg $0x60  }
0xae: {  	[dreg:$0x2] =	wrdreg s24  }
0xaf: {  	[dreg:$0x3] =	wrdreg $0x9  }
0xb0: {  	_ =	task.clear_ibuf [dreg:s6], $0x4FFFF;
	_ =	strace $0x9000004F  }
0xb1: {  	s29 =	simm.s32 $0x9;
	_ =	strace $0x80000051  }
0xb2: {  	_ =	swait.ge [sflag:s29], $0x1  }
0xb3: {  	[sflag:s29] =	ssyncadd.s32 $0xFFFFFFFF  }
0xb4: {  	_ =	strace $0x90000051  }
0xb5: {  	_ =	sfence  }
0xb6: {  	s30 =	sld [smem:$0x0];
	_ =	sdelay $0x2  }
0xb7: {  	s31 =	sshll.u32 s1, $0xD;
	s1 =	sshrl.u32 s1, $0x2  }
0xb8: {  	s3 =	sand.u32 $0x4000, s31;
	s1 =	sadd.s32 s1, s30  }
0xb9: {  	s0 =	sor.u32 s3, s0;
	s1 =	sshll.u32 s1, $0x11  }
0xba: {  	s0 =	sor.u32 s1, s0  }
0xbb: {  	s0 =	sadd.s32 $0x8F2B, s0  }
0xbc: {  	[sflag:s0] =	ssyncadd.remote.s32 $0x1  }
0xbd: {  	_ =	sfence.sel $0xFFFF  }
0xbe: {  	[dreg:$0x0] =	wrdreg $0xFFFFFFFF;
	(pc) =	sbr.abs _section_cstart, $3  }
0xbf: {  	[dreg:$0x1] =	wrdreg $0xFFFFFFFF  }
0xc0: {  	_ =	task.clear_ibuf [dreg:s6], $0x2FFFF;
	_ =	strace $0x9FFFFFFF  }
0xc1: {  	(tm) =	ssettm $0x7FFFFFFF  }
tec
execute0_lowered:
.L_overlay_start_1:
0x0: {  	(tag) =	ssettag $0x1  }
0x1: {  	s1 =	srdreg.scid  }
0x2: {  	s0 =	stileid.u32;
	s6 =	rddreg [dreg:$0x0]  }
0x3: {  	s2 =	simm.s32 $0x0;
	s12 =	simm.s32 $0x4F00;
	s13 =	simm.s32 $0x6300  }
0x4: {  	s14 =	simm.s32 $0x7700;
	s5 =	sand.u32 $0x1, s1;
	s1 =	rddreg [dreg:$0x1]  }
0x5: {  	s15 =	simm.s32 $0x0;
	s30 =	sshll.u32 s0, $0x1;
	[smem:$0x7FF] =	sst s2  }
0x6: {  	s4 =	sadd.s32 $0x5F400, s6;
	s10 =	smul.u32 $0x2800, s0;
	s7 =	sor.u32 s5, s30  }
0x7: {  	_ =	strace $0x80000050;
	s9 =	ssub.s32 $0x2, s5;
	s3 =	smul.u32 $0x1400, s7  }
0x8: {  	s11 =	smul.u32 $0x1400, s5;
	s7 =	sshll.u32 s7, $0x6;
	s31 =	sshrl.u32 s9, $0x1  }
0x9: {  	s7 =	sadd.s32 s7, s6;
	s9 =	ssub.s32 s9, s31;
	s8 =	sshrl.u32 s3, $0x3  }
0xa: {  	s3 =	sadd.s32 $0x5FA00, s6;
	s7 =	sadd.s32 $0x60000, s7;
	s8 =	sadd.s32 s8, s6  }
0xb: {  	s5 =	sadd.s32 $0x5A400, s8;
	s6 =	sadd.s32 $0x81400, s8;
	s8 =	smax.u32 s9, $0x1  }
0xc: {  	v0 =	vimm.f32 $1.000000000e+00;
	s9 =	sadd.s32 s11, s10;
	s10 =	simm.s32 $0x1;
	s11 =	simm.s32 $0x2780  }
.LBB2_1:
0xd: {  	[tilespmem:s2], [sflag:$0x1] =	stream.linear.gather [hbm4b:s3+s2], $0x2780, $0x38;
	[tilespmem:$0x7900] =	vst v63  }
0xe: {  	_ =	swait.ge [sflag:s10], $0x2780  }
0xf: {  	[sflag:s10] =	ssyncset.done $0x0  }
0x10: {  	[sflag:s10] =	ssyncadd.s32 $0xFFFFD880  }
0x11: {  	[tilespmem:s11], [sflag:$0x1] =	stream.linear.gather [hbm4b:s4+s2], $0x2780, $0x38;
	[tilespmem:$0x7900] =	vst v63  }
0x12: {  	_ =	swait.ge [sflag:s10], $0x2780  }
0x13: {  	[sflag:s10] =	ssyncset.done $0x0  }
0x14: {  	[sflag:s10] =	ssyncadd.s32 $0xFFFFD880  }
0x15: {  	[tilespmem:s12], [sflag:$0x1] =	stream.linear.gather [hbm4b:s5+s2], $0x1400, $0x38;
	[tilespmem:$0x7900] =	vst v63  }
0x16: {  	_ =	swait.ge [sflag:s10], $0x1400  }
0x17: {  	[sflag:s10] =	ssyncset.done $0x0  }
0x18: {  	[sflag:s10] =	ssyncadd.s32 $0xFFFFEC00  }
0x19: {  	[tilespmem:s13], [sflag:$0x1] =	stream.linear.gather [hbm4b:s6+s2], $0x1400, $0x38;
	[tilespmem:$0x7900] =	vst v63  }
0x1a: {  	_ =	swait.ge [sflag:s10], $0x1400  }
0x1b: {  	[sflag:s10] =	ssyncset.done $0x0  }
0x1c: {  	s16 =	simm.s32 $0x0;
	[sflag:s10] =	ssyncadd.s32 $0xFFFFEC00  }
0x1d: {  	v1 =	vld [tilespmem:s16+$0x6300];
	_ =	sdelay $0x1  }
0x1e: {  	v3 =	vld [tilespmem:s16+$0x4F00];
	_ =	sdelay $0x3  }
0x1f: {  	s31 =	simm.s32 $0x10  }
0x20: {  	v9 =	vld [tilespmem:s31+$0x6300]  }
0x21: {  	v2 =	vld.idx.msk [tilespmem:v1+s11+$0x0], $0xffff  }
0x22: {  	v7 =	vld [tilespmem:s31+$0x4F00]  }
0x23: {  	v5 =	vld.idx.msk [tilespmem:v3+s11+$0x0], $0xffff  }
0x24: {  	p0 =	slt.u32 s9, $0x27100  }
0x25: {  	v12 =	vpsel !p0, $0x0, v0;
	v11 =	vld.idx.msk [tilespmem:v1+s2+$0x0], $0xffff  }
0x26: {  	v8 =	vld.idx.msk [tilespmem:v3+s2+$0x0], $0xffff;
	v10 =	vmul.f32 v2, v12;
	_ =	sdelay $0x1  }
0x27: {  	v4 =	vimm.f32 $0.0e+00;
	v13 =	vmul.f32 v10, v5  }
0x28: {  	s18 =	simm.s32 $0x20;
	s17 =	simm.s32 $0xC0;
	s16 =	smov.u32 s9;
	v14 =	vmovc v7;
	v6 =	vld.idx.msk [tilespmem:v9+s11+$0x0], $0xffff;
	v3 =	vimm.f32 $0.0e+00;
	v1 =	vimm.f32 $0.0e+00;
	v2 =	vimm.f32 $0.0e+00  }
.LBB2_2:
0x29: {  	p0 =	sne.s32 s17, $0x4FC0;
	v15 =	vld [tilespmem:s18+$0x6300];
	v11 =	vmul.f32 v11, v12;
	v2 =	vadd.f32 v13, v2  }
0x2a: {  	v10 =	vmul.f32 v10, v8;
	v16 =	vld.idx.msk [tilespmem:v7+s11+$0x0], $0xffff  }
0x2b: {  	s16 =	sadd.s32 $0x10, s16;
	v7 =	vld [tilespmem:s18+$0x4F00];
	v13 =	vmul.f32 v11, v8;
	v5 =	vmul.f32 v11, v5  }
0x2c: {  	p1 =	slt.u32 s16, $0x27100;
	v4 =	vadd.f32 v10, v4;
	v11 =	vld.idx.msk [tilespmem:v9+s2+$0x0], $0xffff  }
.Ltmp0:
0x2d: {  	v12 =	vpsel !p1, $0x0, v0;
	v8 =	vld.idx.msk [tilespmem:v14+s2+$0x0], $0xffff;
	v3 =	vadd.f32 v13, v3;
	v1 =	vadd.f32 v5, v1;
	(pc) =	sbr.rel @p0 .LBB2_2-.Ltmp0, $3  }
0x2e: {  	v10 =	vmul.f32 v6, v12;
	v9 =	vmov v15;
	_ =	sdelay $0x1  }
0x2f: {  	v13 =	vmul.f32 v10, v16;
	v5 =	vmov v16;
	v14 =	vmov v7  }
0x30: {  	s18 =	sshra.s32 s17, $0x2;
	s17 =	sadd.s32 $0x40, s17;
	v6 =	vld.idx.msk [tilespmem:v15+s11+$0x0], $0xffff  }
0x31: {  	v15 =	vld [tilespmem:s18+$0x6300];
	_ =	sdelay $0x1  }
0x32: {  	v16 =	vld [tilespmem:s18+$0x4F00];
	_ =	sdelay $0x2  }
0x33: {  	v7 =	vld.idx.msk [tilespmem:v7+s11+$0x0], $0xffff  }
0x34: {  	v9 =	vld.idx.msk [tilespmem:v9+s2+$0x0], $0xffff  }
0x35: {  	v14 =	vld.idx.msk [tilespmem:v14+s2+$0x0], $0xffff  }
0x36: {  	v11 =	vmul.f32 v11, v12;
	s16 =	sadd.s32 $0x10, s16;
	v54 =	vld.idx.msk [tilespmem:v15+s2+$0x0], $0xffff  }
0x37: {  	p0 =	slt.u32 s16, $0x27100;
	v15 =	vld.idx.msk [tilespmem:v15+s11+$0x0], $0xffff  }
0x38: {  	v10 =	vmul.f32 v10, v8;
	s16 =	sadd.s32 $0x10, s16;
	v55 =	vmul.f32 v11, v8;
	v17 =	vpsel !p0, $0x0, v0;
	v18 =	vld.idx.msk [tilespmem:v16+s2+$0x0], $0xffff  }
0x39: {  	v2 =	vadd.f32 v13, v2;
	v5 =	vmul.f32 v11, v5;
	p6 =	slt.u32 s16, $0x27100;
	v9 =	vmul.f32 v9, v17  }
0x3a: {  	v4 =	vadd.f32 v10, v4;
	v57 =	vpsel !p6, $0x0, v0;
	v6 =	vmul.f32 v6, v17;
	v56 =	vld.idx.msk [tilespmem:v16+s11+$0x0], $0xffff  }
0x3b: {  	v3 =	vadd.f32 v55, v3;
	v58 =	vmul.f32 v9, v14;
	v12 =	vmul.f32 v54, v57  }
0x3c: {  	v1 =	vadd.f32 v5, v1;
	v59 =	vmul.f32 v6, v14;
	v11 =	vmul.f32 v15, v57  }
0x3d: {  	v9 =	vmul.f32 v9, v7;
	v3 =	vadd.f32 v58, v3;
	v60 =	vmul.f32 v12, v18  }
0x3e: {  	v6 =	vmul.f32 v6, v7;
	v4 =	vadd.f32 v59, v4;
	v61 =	vmul.f32 v11, v18  }
0x3f: {  	v1 =	vadd.f32 v9, v1;
	v62 =	vmul.f32 v12, v56;
	v3 =	vadd.f32 v60, v3  }
0x40: {  	v2 =	vadd.f32 v6, v2;
	v63 =	vmul.f32 v11, v56;
	v4 =	vadd.f32 v61, v4  }
0x41: {  	v1 =	vadd.f32 v62, v1;
	[tilespmem:$0x7700] =	vst v3  }
0x42: {  	s15 =	sadd.s32 $0x1, s15;
	v2 =	vadd.f32 v63, v2;
	[tilespmem:$0x7780] =	vst v4  }
0x43: {  	p0 =	sne.s32 s15, s8;
	[tilespmem:$0x7800] =	vst v1  }
.Ltmp1:
0x44: {  	[tilespmem:$0x7880] =	vst v2;
	(pc) =	sbr.rel @p0 .LBB2_1-.Ltmp1, $4  }
0x45: {  	[hbm4b:s7+s2] =	stream.linear.scatter [tilespmem:s14], [sflag:$0x1], $0x200, $0x38;
	[tilespmem:$0x7900] =	vst v63  }
0x46: {  	_ =	swait.ge [sflag:s10], $0x200  }
0x47: {  	[sflag:s10] =	ssyncset.done $0x0  }
0x48: {  	[sflag:s10] =	ssyncadd.s32 $0xFFFFFE00  }
0x49: {  	_ =	sfence.sel $0x180000  }
0x4a: {  	[bflag:$0x0] =	sbarrier.arrive $0xFFFF  }
0x4b: {  	p0 =	sne.s32 s0, $0x0;
	_ =	strace $0x90000050  }
0x4c: {  	s0 =	sadd.s32 @!p0 $0x100000, s1;
	[bflag:$0x2] =	sbarrier.arrive $0xFFFF  }
0x4d: {  	[sflag:s0] =	ssyncadd.tile.s32 @!p0 $0x1;
	_ =	shalt  }
.Lfunc_end2:
_tile_overlayer_lowered:
.L_overlay_start_2:
0x4e: {  	(tag) =	ssettag $0x2  }
0x4f: {  	s0 =	rddreg [dreg:$0x0];
	s2 =	stileid.u32  }
0x50: {  	s1 =	rddreg [dreg:$0x1];
	p0 =	sne.s32 s2, $0x0  }
0x51: {  	s3 =	rddreg [dreg:$0x2];
	[bflag:$0x3] =	sbarrier.arrive $0xFFFF;
	s2 =	simm.s32 @!p0 $0x1C01  }
0x52: {  	[timem:s3], [sflag:s2] =	dma.local @!p0 [hbm:s0], s1  }
0x53: {  	s0 =	simm.s32 @!p0 $0x1  }
0x54: {  	_ =	swait.ge @!p0 [sflag:s0], s1  }
0x55: {  	s1 =	ssub.s32 @!p0 $0x0, s1;
	[sflag:s0] =	ssyncset.done @!p0 $0x0  }
0x56: {  	[sflag:s0] =	ssyncadd.s32 @!p0 s1  }
0x57: {  	[bflag:$0x3] =	sbarrier.arrive $0xFFFF  }
0x58: {  	_ =	shalt  }

// kernel: kernel.8.cloned.1.call-start
scs
__scs_entry_jumppad:
0x0: {  	(pc) =	sbr.rel $0x88, $3  }
0x1: {  	(tag) =	ssettag $0x0;
	lr =	simm.s32 $0x1  }
0x2: {  	[smem:$0x3F95] =	sst lr;
	_ =	strace $0xD0000000  }
0x3: {  	_ = 	snop  }
0x4: {  	_ = 	snop  }
0x5: {  	_ = 	snop  }
0x6: {  	_ = 	snop  }
0x7: {  	_ = 	snop  }
__scs_overlays_trampoline_lowered:
0x8: {  	[smem:$0x3FA4] =	sst s0  }
0x9: {  	[smem:$0x3FA5] =	sst s1  }
0xa: {  	[smem:$0x3FA6] =	sst s2  }
0xb: {  	[smem:$0x3FA7] =	sst s3  }
0xc: {  	[smem:$0x3FA8] =	sst s4  }
0xd: {  	[smem:$0x3FA9] =	sst s5  }
0xe: {  	[smem:$0x3FAA] =	sst s6  }
0xf: {  	[smem:$0x3FAB] =	sst s7  }
0x10: {  	[smem:$0x3FAC] =	sst s8  }
0x11: {  	[smem:$0x3FAD] =	sst s9;
	s0 =	simm.s32 @!p0 $0x0  }
0x12: {  	s1 =	sld [smem:$0x3F93];
	s0 =	simm.s32 @p0 $0x1  }
0x13: {  	[smem:$0x3FAE] =	sst s0;
	s0 =	simm.s32 @!p1 $0x0  }
0x14: {  	s2 =	sld [smem:$0x3F92];
	s0 =	simm.s32 @p1 $0x1  }
0x15: {  	[smem:$0x3FAF] =	sst s0;
	s0 =	simm.s32 @!p2 $0x0  }
0x16: {  	s3 =	sld [smem:$0x3FDB];
	s0 =	simm.s32 @p2 $0x1  }
0x17: {  	s4 =	simm.s32 $0x1BF5;
	[smem:$0x3FB1] =	sst s0  }
0x18: {  	s0 =	sld [smem:$0x3F94];
	_ =	swait.ge [sflag:s4], $0x0  }
0x19: {  	s7 =	sld [smem:$0x3F95]  }
0x1a: {  	s8 =	sadd.s32 $0xFFFFE003, lr  }
0x1b: {  	s9 =	sadd.s32 $0xFFFFFEF7, lr;
	s5 =	simm.s32 $0xFFFFFFFF;
	p2 =	slt.u32 s8, $0xFFFFF086  }
0x1c: {  	p1 =	slt.u32 s9, $0xF7A;
	s5 =	simm.s32 @!p2 $0x0  }
0x1d: {  	s5 =	simm.s32 @p1 $0x1;
	p0 =	seq.s32 s7, s2  }
0x1e: {  	s7 =	smul.u32 @!p0 $0xF7A, s2;
	p2 =	seq.s32 @!p0 s5, $0x0  }
0x1f: {  	s9 =	smul.u32 $0xF7A, s1;
	s8 =	simm.s32 @!p0 $0x1BF5;
	p2 =	por !p2, p0  }
0x20: {  	[sflag:s8] =	ssyncset.s32 @!p0 $0xFFFFF086;
	s6 =	sadd.s32 @!p0 s3, s7;
	s7 =	simm.s32 @!p0 $0x108  }
0x21: {  	s3 =	sadd.s32 s3, s9;
	s6 =	sadd.s32 @!p0 $0x88, s6;
	s7 =	simm.s32 @p2 $0x1082  }
0x22: {  	[simem:s7], [sflag:s8] =	dma.local @!p0 [hbm:s6], $0xF7A  }
0x23: {  	s9 =	sor.u32 $0xD0000000, s2;
	s6 =	simm.s32 $0x108;
	_ =	swait.ge @!p0 [sflag:s8], $0x0  }
0x24: {  	s3 =	sadd.s32 $0x88, s3;
	s6 =	simm.s32 @!p1 $0x1082;
	[sflag:s4] =	ssyncset.s32 $0xFFFFF086  }
0x25: {  	[simem:s6], [sflag:s4] =	dma.local [hbm:s3], $0xF7A  }
0x26: {  	[smem:$0x3F95] =	sst s1;
	(tag) =	ssettag s2;
	_ =	strace s9  }
0x27: {  	s1 =	sld [smem:$0x3FA5]  }
0x28: {  	s2 =	sld [smem:$0x3FA6]  }
0x29: {  	s4 =	sld [smem:$0x3FA8]  }
0x2a: {  	p0 =	seq.s32 s5, $0x0;
	s5 =	sld [smem:$0x3FA9]  }
0x2b: {  	s6 =	sld [smem:$0x3FAA]  }
0x2c: {  	s7 =	sld [smem:$0x3FAB]  }
0x2d: {  	s3 =	simm.s32 $0x108;
	s8 =	sld [smem:$0x3FAC]  }
0x2e: {  	s3 =	simm.s32 @!p0 $0x1082;
	s9 =	sld [smem:$0x3FAD]  }
0x2f: {  	lr =	sadd.s32 s0, s3;
	s0 =	sld [smem:$0x3FA4]  }
0x30: {  	s3 =	sld [smem:$0x3FA7]  }
0x31: {  	[smem:$0x3FB0] =	sst s10  }
0x32: {  	s10 =	sld [smem:$0x3FAE];
	_ =	sdelay $0x3  }
0x33: {  	p0 =	seq.s32 s10, $0x1;
	s10 =	sld [smem:$0x3FB0];
	_ =	sdelay $0x3  }
0x34: {  	[smem:$0x3FB0] =	sst s10  }
0x35: {  	s10 =	sld [smem:$0x3FAF];
	_ =	sdelay $0x3  }
0x36: {  	p1 =	seq.s32 s10, $0x1;
	s10 =	sld [smem:$0x3FB0];
	_ =	sdelay $0x3  }
0x37: {  	[smem:$0x3FB0] =	sst s10  }
0x38: {  	s10 =	sld [smem:$0x3FB1]  }
0x39: {  	_ = 	snop;
	(pc) =	sbr.ind lr, $3  }
0x3a: {  	_ = 	snop  }
0x3b: {  	_ = 	snop  }
0x3c: {  	p2 =	seq.s32 s10, $0x1;
	s10 =	sld [smem:$0x3FB0]  }
0x3d: {  	_ =	shalt  }
0x3e: {  	_ =	shalt  }
0x3f: {  	_ =	shalt  }
0x40: {  	_ =	shalt  }
0x41: {  	_ =	shalt  }
0x42: {  	_ =	shalt  }
0x43: {  	_ =	shalt  }
0x44: {  	_ =	shalt  }
0x45: {  	_ =	shalt  }
0x46: {  	_ =	shalt  }
0x47: {  	_ =	shalt  }
0x48: {  	_ =	shalt  }
0x49: {  	_ =	shalt  }
0x4a: {  	_ =	shalt  }
0x4b: {  	_ =	shalt  }
0x4c: {  	_ =	shalt  }
0x4d: {  	_ =	shalt  }
0x4e: {  	_ =	shalt  }
0x4f: {  	_ =	shalt  }
0x50: {  	_ =	shalt  }
0x51: {  	_ =	shalt  }
0x52: {  	_ =	shalt  }
0x53: {  	_ =	shalt  }
0x54: {  	_ =	shalt  }
0x55: {  	_ =	shalt  }
0x56: {  	_ =	shalt  }
0x57: {  	_ =	shalt  }
0x58: {  	_ =	shalt  }
0x59: {  	_ =	shalt  }
0x5a: {  	_ =	shalt  }
0x5b: {  	_ =	shalt  }
0x5c: {  	_ =	shalt  }
0x5d: {  	_ =	shalt  }
0x5e: {  	_ =	shalt  }
0x5f: {  	_ =	shalt  }
0x60: {  	_ =	shalt  }
0x61: {  	_ =	shalt  }
0x62: {  	_ =	shalt  }
0x63: {  	_ =	shalt  }
0x64: {  	_ =	shalt  }
0x65: {  	_ =	shalt  }
0x66: {  	_ =	shalt  }
0x67: {  	_ =	shalt  }
0x68: {  	_ =	shalt  }
0x69: {  	_ =	shalt  }
0x6a: {  	_ =	shalt  }
0x6b: {  	_ =	shalt  }
0x6c: {  	_ =	shalt  }
0x6d: {  	_ =	shalt  }
0x6e: {  	_ =	shalt  }
0x6f: {  	_ =	shalt  }
0x70: {  	_ =	shalt  }
0x71: {  	_ =	shalt  }
0x72: {  	_ =	shalt  }
0x73: {  	_ =	shalt  }
0x74: {  	_ =	shalt  }
0x75: {  	_ =	shalt  }
0x76: {  	_ =	shalt  }
0x77: {  	_ =	shalt  }
0x78: {  	_ =	shalt  }
0x79: {  	_ =	shalt  }
0x7a: {  	_ =	shalt  }
0x7b: {  	_ =	shalt  }
0x7c: {  	_ =	shalt  }
0x7d: {  	_ =	shalt  }
0x7e: {  	_ =	shalt  }
0x7f: {  	_ =	shalt  }
0x80: {  	_ =	shalt  }
0x81: {  	_ =	shalt  }
0x82: {  	_ =	shalt  }
0x83: {  	_ =	shalt  }
0x84: {  	_ =	shalt  }
0x85: {  	_ =	shalt  }
0x86: {  	_ =	shalt  }
0x87: {  	_ =	shalt  }
.Lfunc_end0:
.L_simem_size_0:
called_computation_lowered:
.L_overlay_start_0:
0x88: {  	s2 =	sld [smem:$0x3FD9]  }
0x89: {  	s3 =	sld [smem:$0x3FFE];
	_ =	sdelay $0x1  }
0x8a: {  	s1 =	srdreg.scid  }
0x8b: {  	s0 =	sand.u32 $0x1, s1  }
0x8c: {  	s17 =	sshll.u32 s0, $0xA;
	s2 =	sadd.s32 s3, s2  }
0x8d: {  	s2 =	sadd.s32 s2, s17  }
0x8e: {  	[smem:$0x3FBC] =	sst s2  }
0x8f: {  	_ = 	snop  }
0x90: {  	s2 =	sld [smem:$0x3FC9];
	(tm) =	ssettm $0x1  }
0x91: {  	s18 =	sld [smem:$0x3FFB];
	_ =	sdelay $0x3  }
0x92: {  	_ =	strace s18  }
0x93: {  	s3 =	sld [smem:$0x3FFC];
	_ =	sdelay $0x3  }
0x94: {  	_ =	strace s3  }
0x95: {  	s3 =	sld [smem:$0x3FFD];
	_ =	sdelay $0x3  }
0x96: {  	_ =	strace s3  }
0x97: {  	_ =	strace $0x8FFFFFFF  }
0x98: {  	s19 =	sld [smem:$0x3FDB];
	_ =	sdelay $0x1  }
0x99: {  	s4 =	simm.s32 $_scs_section_size  }
0x9a: {  	s5 =	simm.s32 $_size__tile_overlayer_lowered;
	s6 =	simm.s32 $_tile_overlayer_lowered  }
0x9b: {  	s22 =	simm.s32 $0x1BFF;
	s21 =	sshll.u32 s6, $0x1;
	s3 =	sadd.s32 s4, s19  }
0x9c: {  	s7 =	simm.s32 $0x0;
	s20 =	sshll.u32 s5, $0x1;
	s5 =	sadd.s32 s21, s3  }
0x9d: {  	[timem:s7], [sflag:s22] =	dma.local [hbm:s5], s20  }
0x9e: {  	_ =	swait.ge [sflag:s22], s20  }
0x9f: {  	s4 =	ssub.s32 $0x0, s20;
	[sflag:s22] =	ssyncset.done $0x0  }
0xa0: {  	[sflag:s22] =	ssyncadd.s32 s4;
	_ =	sdelay $0x1  }
0xa1: {  	s23 =	simm.s32 $0x1B8B  }
0xa2: {  	_ =	swait.ge [sflag:s23], $0x1  }
0xa3: {  	[sflag:s23] =	ssyncset.done $0x0  }
0xa4: {  	s25 =	simm.s32 $0x1B8E;
	s24 =	sld [smem:$0x3FFE];
	[sflag:s23] =	ssyncadd.s32 $0xFFFFFFFF  }
0xa5: {  	s26 =	simm.s32 $execute0_lowered;
	[smem:$0x3FD2] =	sst s25  }
0xa6: {  	s5 =	sshll.u32 s26, $0x1;
	_ =	strace $0x80000046;
	[dreg:$0x1] =	wrdreg $0xFFFFFFFF  }
0xa7: {  	s28 =	simm.s32 $_size_execute0_lowered;
	s3 =	sadd.s32 s3, s5;
	[dreg:$0x0] =	wrdreg $0x0  }
0xa8: {  	s5 =	sshll.u32 s28, $0x1;
	[dreg:$0x2] =	wrdreg s3  }
0xa9: {  	[dreg:$0x3] =	wrdreg s5  }
0xaa: {  	[dreg:$0x4] =	wrdreg $0xC0  }
0xab: {  	_ =	task [dreg:s7], $0x5FFFF  }
0xac: {  	[dreg:$0x1] =	wrdreg $0xFFFFFFFF  }
0xad: {  	[dreg:$0x0] =	wrdreg $0x60  }
0xae: {  	[dreg:$0x2] =	wrdreg s2  }
0xaf: {  	[dreg:$0x3] =	wrdreg s24  }
0xb0: {  	[dreg:$0x4] =	wrdreg $0xA8000  }
0xb1: {  	[dreg:$0x5] =	wrdreg $0x9  }
0xb2: {  	_ =	task.clear_ibuf [dreg:s7], $0x6FFFF;
	_ =	strace $0x90000046  }
0xb3: {  	s29 =	simm.s32 $0x9;
	_ =	strace $0x80000048  }
0xb4: {  	_ =	swait.ge [sflag:s29], $0x1  }
0xb5: {  	[sflag:s29] =	ssyncadd.s32 $0xFFFFFFFF  }
0xb6: {  	_ =	strace $0x90000048  }
0xb7: {  	_ =	sfence  }
0xb8: {  	s30 =	sld [smem:$0x0];
	_ =	sdelay $0x2  }
0xb9: {  	s31 =	sshll.u32 s1, $0xD;
	s1 =	sshrl.u32 s1, $0x2  }
0xba: {  	s3 =	sand.u32 $0x4000, s31;
	s1 =	sadd.s32 s1, s30  }
0xbb: {  	s0 =	sor.u32 s3, s0;
	s1 =	sshll.u32 s1, $0x11  }
0xbc: {  	s0 =	sor.u32 s1, s0  }
0xbd: {  	s0 =	sadd.s32 $0x8F2B, s0  }
0xbe: {  	[sflag:s0] =	ssyncadd.remote.s32 $0x1  }
0xbf: {  	_ =	sfence.sel $0xFFFF  }
0xc0: {  	[dreg:$0x0] =	wrdreg $0xFFFFFFFF;
	(pc) =	sbr.abs _section_cstart, $3  }
0xc1: {  	[dreg:$0x1] =	wrdreg $0xFFFFFFFF  }
0xc2: {  	_ =	task.clear_ibuf [dreg:s7], $0x2FFFF;
	_ =	strace $0x9FFFFFFF  }
0xc3: {  	(tm) =	ssettm $0x7FFFFFFF  }
tec
execute0_lowered:
.L_overlay_start_1:
0x0: {  	(tag) =	ssettag $0x1  }
0x1: {  	s1 =	rddreg [dreg:$0x0];
	s2 =	srdreg.scid  }
0x2: {  	s0 =	stileid.u32;
	s7 =	rddreg [dreg:$0x1]  }
0x3: {  	s3 =	rddreg [dreg:$0x2];
	s4 =	simm.s32 $0x0;
	s17 =	simm.s32 $0x7D  }
0x4: {  	s18 =	simm.s32 $0x2800;
	s19 =	simm.s32 $0x80;
	s20 =	simm.s32 $0x6800  }
0x5: {  	s21 =	simm.s32 $0x1;
	s22 =	simm.s32 $0x2;
	s28 =	simm.s32 $0x0  }
0x6: {  	s5 =	sand.u32 $0x1, s2;
	s2 =	rddreg [dreg:$0x3];
	s8 =	smul.u32 $0x13800, s0  }
0x7: {  	s23 =	sshll.u32 s0, $0x1;
	[smem:$0x7FF] =	sst s4;
	s12 =	smul.u32 $0x4E000, s0  }
0x8: {  	s13 =	sadd.s32 $0x33200, s7;
	s26 =	sshll.u32 s0, $0x6;
	s16 =	sadd.s32 $0x138000, s3  }
0x9: {  	p0 =	sne.s32 s0, $0xF;
	s6 =	sor.u32 s5, s23;
	_ =	strace $0x80000047  }
0xa: {  	s24 =	ssub.s32 $0x2, s5;
	s29 =	smul.u32 $0x138800, s5;
	s23 =	simm.s32 $0x3  }
0xb: {  	s6 =	smul.u32 $0x280, s6;
	s10 =	sshrl.u32 s8, $0x3;
	s11 =	sshrl.u32 s24, $0x1  }
0xc: {  	s25 =	sshrl.u32 s12, $0x2;
	s10 =	sadd.s32 s10, s7;
	s14 =	ssub.s32 s24, s11  }
0xd: {  	s15 =	sadd.s32 s25, s3;
	s30 =	sadd.s32 s8, s29;
	s31 =	sshrl.u32 s29, $0x3  }
0xe: {  	s24 =	simm.s32 $0x4;
	s25 =	simm.s32 $0x2700;
	s9 =	sadd.s32 s6, s7  }
0xf: {  	s5 =	sadd.s32 $0xC000, s10;
	s6 =	sor.u32 $0x1C05, s26;
	s7 =	sadd.s32 $0x33000, s7  }
0x10: {  	s10 =	sshrl.u32 s30, $0x3;
	s11 =	sadd.s32 s13, s31;
	s12 =	smax.u32 s14, $0x1  }
0x11: {  	s14 =	simm.s32 $0x5;
	s26 =	simm.s32 $0x2780;
	s8 =	sadd.s32 $0x2000, s9  }
0x12: {  	s9 =	sadd.s32 $0x7000, s9;
	s10 =	sadd.s32 s13, s10;
	s11 =	sadd.s32 $0x27000, s11  }
0x13: {  	s13 =	sshrl.u32 s15, $0x3;
	s15 =	sshrl.u32 @!p0 s16, $0x3;
	s16 =	simm.s32 $0x1400  }
.LBB2_1:
0x14: {  	[spmem:s13], [sflag:s6] =	dma.local [hbm:s5], $0x2700  }
0x15: {  	_ =	swait.ge [sflag:s14], $0x2700  }
0x16: {  	[sflag:s14] =	ssyncset.done $0x0  }
0x17: {  	s29 =	simm.s32 @!p0 $0x5;
	[sflag:s14] =	ssyncadd.s32 $0xFFFFD900  }
0x18: {  	[spmem:s15], [sflag:s6] =	dma.local @!p0 [hbm:s7], $0x100  }
0x19: {  	_ =	swait.ge @!p0 [sflag:s29], $0x100  }
0x1a: {  	[sflag:s29] =	ssyncset.done @!p0 $0x0  }
0x1b: {  	[sflag:s29] =	ssyncadd.s32 @!p0 $0xFFFFFF00  }
0x1c: {  	[tilespmem:s4], [sflag:$0x5] =	stream.linear.gather [hbm4b:s8+s4], $0x1400, $0x38;
	[tilespmem:$0x1E080] =	vst v63  }
0x1d: {  	_ =	swait.ge [sflag:s14], $0x1400  }
0x1e: {  	[sflag:s14] =	ssyncset.done $0x0  }
0x1f: {  	[sflag:s14] =	ssyncadd.s32 $0xFFFFEC00  }
0x20: {  	[tilespmem:s16], [sflag:$0x5] =	stream.linear.gather [hbm4b:s9+s4], $0x1400, $0x38;
	[tilespmem:$0x1E080] =	vst v63  }
0x21: {  	_ =	swait.ge [sflag:s14], $0x1400  }
0x22: {  	[sflag:s14] =	ssyncset.done $0x0  }
0x23: {  	[sflag:s14] =	ssyncadd.s32 $0xFFFFEC00  }
0x24: {  	[bflag:$0x0] =	sbarrier.arrive $0xFFFF  }
0x25: {  	[tilespmem:s18], [sflag:$0x1] =	stream.indirect.gather [hbm4b:s1+s17], $0x80, s4, s17, $0xb8;
	[tilespmem:$0x1E080] =	vst v63  }
0x26: {  	_ = 	snop  }
0x27: {  	[tilespmem:s20], [sflag:$0x2] =	stream.indirect.gather [hbm4b:s1+s17], $0x80, s19, s17, $0xb8;
	[tilespmem:$0x1E080] =	vst v63  }
0x28: {  	_ =	swait.ge [sflag:s21], $0x3E80  }
0x29: {  	[sflag:s21] =	ssyncset.done $0x0  }
0x2a: {  	s29 =	simm.s32 $0x1400;
	[sflag:s21] =	ssyncadd.s32 $0xFFFFC180  }
0x2b: {  	[spmem:s3] =	stream.indirect.scatter.add.f32 [tilespmem:s18], [sflag:$0x3], $0x80, s29, s17, $0xb8;
	[tilespmem:$0x1E080] =	vst v63  }
0x2c: {  	_ =	swait.ge [sflag:s22], $0x3E80  }
0x2d: {  	[sflag:s22] =	ssyncset.done $0x0  }
0x2e: {  	s29 =	simm.s32 $0x1480;
	[sflag:s22] =	ssyncadd.s32 $0xFFFFC180  }
0x2f: {  	[spmem:s3] =	stream.indirect.scatter.add.f32 [tilespmem:s20], [sflag:$0x4], $0x80, s29, s17, $0xb8;
	[tilespmem:$0x1E080] =	vst v63  }
0x30: {  	_ =	swait.ge [sflag:s23], $0x3E80  }
0x31: {  	[sflag:s23] =	ssyncset.done $0x0  }
0x32: {  	s29 =	simm.s32 $0x100;
	[sflag:s23] =	ssyncadd.s32 $0xFFFFC180  }
0x33: {  	[tilespmem:s18], [sflag:$0x1] =	stream.indirect.gather [hbm4b:s1+s17], $0x80, s29, s17, $0xb8;
	[tilespmem:$0x1E080] =	vst v63  }
0x34: {  	_ =	swait.ge [sflag:s24], $0x3E80  }
0x35: {  	[sflag:s24] =	ssyncset.done $0x0  }
0x36: {  	s30 =	simm.s32 $0x180;
	s29 =	simm.s32 $0x400;
	[sflag:s24] =	ssyncadd.s32 $0xFFFFC180  }
.LBB2_2:
0x37: {  	[tilespmem:s20], [sflag:$0x2] =	stream.indirect.gather [hbm4b:s1+s17], $0x80, s30, s17, $0xb8;
	[tilespmem:$0x1E080] =	vst v63  }
0x38: {  	s30 =	smov.u32 s29  }
0x39: {  	p1 =	sne.s32 s29, $0x4800;
	s29 =	sadd.s32 $0x400, s29;
	_ =	swait.ge [sflag:s21], $0x3E80  }
0x3a: {  	s30 =	sshra.s32 s30, $0x2;
	[sflag:s21] =	ssyncset.done $0x0  }
0x3b: {  	s31 =	sadd.s32 $0x1400, s30;
	[sflag:s21] =	ssyncadd.s32 $0xFFFFC180  }
0x3c: {  	[spmem:s3] =	stream.indirect.scatter.add.f32 [tilespmem:s18], [sflag:$0x3], $0x80, s31, s17, $0xb8;
	[tilespmem:$0x1E080] =	vst v63  }
0x3d: {  	_ =	swait.ge [sflag:s22], $0x3E80  }
0x3e: {  	[sflag:s22] =	ssyncset.done $0x0  }
0x3f: {  	s31 =	sadd.s32 $0x1480, s30;
	[sflag:s22] =	ssyncadd.s32 $0xFFFFC180  }
0x40: {  	[spmem:s3] =	stream.indirect.scatter.add.f32 [tilespmem:s20], [sflag:$0x4], $0x80, s31, s17, $0xb8;
	[tilespmem:$0x1E080] =	vst v63  }
0x41: {  	_ =	swait.ge [sflag:s23], $0x3E80  }
0x42: {  	[sflag:s23] =	ssyncset.done $0x0  }
.Ltmp0:
0x43: {  	s31 =	sadd.s32 $0x100, s30;
	[sflag:s23] =	ssyncadd.s32 $0xFFFFC180;
	(pc) =	sbr.rel @p1 .LBB2_2-.Ltmp0, $4  }
0x44: {  	[tilespmem:s18], [sflag:$0x1] =	stream.indirect.gather [hbm4b:s1+s17], $0x80, s31, s17, $0xb8;
	[tilespmem:$0x1E080] =	vst v63  }
0x45: {  	_ =	swait.ge [sflag:s24], $0x3E80  }
0x46: {  	[sflag:s24] =	ssyncset.done $0x0  }
0x47: {  	s30 =	sadd.s32 $0x180, s30;
	[sflag:s24] =	ssyncadd.s32 $0xFFFFC180  }
0x48: {  	[tilespmem:s20], [sflag:$0x2] =	stream.indirect.gather [hbm4b:s1+s17], $0x80, s30, s17, $0xb8;
	[tilespmem:$0x1E080] =	vst v63  }
0x49: {  	_ =	swait.ge [sflag:s21], $0x3E80  }
0x4a: {  	[sflag:s21] =	ssyncset.done $0x0  }
0x4b: {  	[sflag:s21] =	ssyncadd.s32 $0xFFFFC180  }
0x4c: {  	[spmem:s3] =	stream.indirect.scatter.add.f32 [tilespmem:s18], [sflag:$0x3], $0x80, s25, s17, $0xb8;
	[tilespmem:$0x1E080] =	vst v63  }
0x4d: {  	_ =	swait.ge [sflag:s22], $0x3E80  }
0x4e: {  	[sflag:s22] =	ssyncset.done $0x0  }
0x4f: {  	[sflag:s22] =	ssyncadd.s32 $0xFFFFC180  }
0x50: {  	[spmem:s3] =	stream.indirect.scatter.add.f32 [tilespmem:s20], [sflag:$0x4], $0x80, s26, s17, $0xb8;
	[tilespmem:$0x1E080] =	vst v63  }
0x51: {  	_ =	swait.ge [sflag:s23], $0x3E80  }
0x52: {  	[sflag:s23] =	ssyncset.done $0x0  }
0x53: {  	[sflag:s23] =	ssyncadd.s32 $0xFFFFC180  }
0x54: {  	_ =	swait.ge [sflag:s24], $0x3E80  }
0x55: {  	[sflag:s24] =	ssyncset.done $0x0  }
0x56: {  	[sflag:s24] =	ssyncadd.s32 $0xFFFFC180  }
0x57: {  	[bflag:$0x0] =	sbarrier.arrive $0xFFFF  }
0x58: {  	[hbm:s10], [sflag:s6] =	dma.local [spmem:s13], $0x2700  }
0x59: {  	s28 =	sadd.s32 $0x1, s28;
	_ =	swait.ge [sflag:s14], $0x2700  }
0x5a: {  	p1 =	sne.s32 s28, s12;
	[sflag:s14] =	ssyncset.done $0x0  }
.Ltmp1:
0x5b: {  	s29 =	simm.s32 @!p0 $0x5;
	[sflag:s14] =	ssyncadd.s32 $0xFFFFD900;
	(pc) =	sbr.rel @p1 .LBB2_1-.Ltmp1, $4  }
0x5c: {  	[hbm:s11], [sflag:s6] =	dma.local @!p0 [spmem:s15], $0x100  }
0x5d: {  	_ =	swait.ge @!p0 [sflag:s29], $0x100  }
0x5e: {  	[sflag:s29] =	ssyncset.done @!p0 $0x0  }
0x5f: {  	[sflag:s29] =	ssyncadd.s32 @!p0 $0xFFFFFF00  }
0x60: {  	_ =	sfence.sel $0x180000  }
0x61: {  	[bflag:$0x0] =	sbarrier.arrive $0xFFFF  }
0x62: {  	p0 =	sne.s32 s0, $0x0;
	_ =	strace $0x90000047  }
0x63: {  	s0 =	sadd.s32 @!p0 $0x100000, s2;
	[bflag:$0x2] =	sbarrier.arrive $0xFFFF  }
0x64: {  	[sflag:s0] =	ssyncadd.tile.s32 @!p0 $0x1;
	_ =	shalt  }
.Lfunc_end2:
_tile_overlayer_lowered:
.L_overlay_start_2:
0x65: {  	(tag) =	ssettag $0x2  }
0x66: {  	s0 =	rddreg [dreg:$0x0];
	s2 =	stileid.u32  }
0x67: {  	s1 =	rddreg [dreg:$0x1];
	p0 =	sne.s32 s2, $0x0  }
0x68: {  	s3 =	rddreg [dreg:$0x2];
	[bflag:$0x3] =	sbarrier.arrive $0xFFFF;
	s2 =	simm.s32 @!p0 $0x1C05  }
0x69: {  	[timem:s3], [sflag:s2] =	dma.local @!p0 [hbm:s0], s1  }
0x6a: {  	s0 =	simm.s32 @!p0 $0x5  }
0x6b: {  	_ =	swait.ge @!p0 [sflag:s0], s1  }
0x6c: {  	s1 =	ssub.s32 @!p0 $0x0, s1;
	[sflag:s0] =	ssyncset.done @!p0 $0x0  }
0x6d: {  	[sflag:s0] =	ssyncadd.s32 @!p0 s1  }
0x6e: {  	[bflag:$0x3] =	sbarrier.arrive $0xFFFF  }
0x6f: {  	_ =	shalt  }

</sc_bundles>
